<compile_context>
chip_gen: v7x
topology: tpu7x:2x2x1
jax: 0.10.2.dev20260603
libtpu: 0.0.44.dev20260713+nightly
codegen_flags: <defaults>
</compile_context>

<pallas_src>
import functools

import jax
import jax.numpy as jnp
from jax import lax
from jax.experimental import pallas as pl
from jax.experimental.pallas import tpu as pltpu
from jax.experimental.pallas import tpu_sc as plsc

_E = 64
_K = 2
_D = 1024
_F = 1024
_T = 2048
_A = _T * _K
_BLK = 128
_NT = _A // _BLK + _E
_PAD = _NT * _BLK
_PC = 512


def _router_body(x_ref, gw_ref, e0_ref, e1_ref, p0_ref, p1_ref):
    lt = lax.dot_general(gw_ref[...], x_ref[...], (((1,), (1,)), ((), ())),
                         preferred_element_type=jnp.float32)
    a1 = jnp.argmax(lt, axis=0).astype(jnp.int32)
    m1 = jnp.max(lt, axis=0)
    ii = lax.broadcasted_iota(jnp.int32, lt.shape, 0)
    lt2 = jnp.where(ii == a1[None, :], -jnp.inf, lt)
    a2 = jnp.argmax(lt2, axis=0).astype(jnp.int32)
    m2 = jnp.max(lt2, axis=0)
    p = jax.nn.sigmoid(m1 - m2)
    e0_ref[...] = jnp.broadcast_to(a1[None, :], e0_ref.shape)
    e1_ref[...] = jnp.broadcast_to(a2[None, :], e1_ref.shape)
    p0_ref[...] = jnp.broadcast_to(p[None, :], p0_ref.shape)
    p1_ref[...] = jnp.broadcast_to((1.0 - p)[None, :], p1_ref.shape)


def _route(x, gate_w):
    return pl.pallas_call(
        _router_body,
        out_shape=[
            jax.ShapeDtypeStruct((8, _T), jnp.int32),
            jax.ShapeDtypeStruct((8, _T), jnp.int32),
            jax.ShapeDtypeStruct((8, _T), jnp.float32),
            jax.ShapeDtypeStruct((8, _T), jnp.float32),
        ],
    )(x, gate_w)


def _route_meta(e0, e1):
    ii = jnp.arange(_E, dtype=jnp.int32)[None, :]
    oh0 = (e0[:, None] == ii).astype(jnp.float32)
    oh1 = (e1[:, None] == ii).astype(jnp.float32)
    ohb = oh0 + oh1
    ci = jnp.arange(_PC, dtype=jnp.int32)
    tril = (ci[:, None] > ci[None, :]).astype(jnp.float32)
    ohc = ohb.reshape(_T // _PC, _PC, _E)
    within = jnp.einsum("ij,cjk->cik", tril, ohc,
                        preferred_element_type=jnp.float32)
    chunk_tot = jnp.cumsum(jnp.sum(ohc, axis=1), axis=0)
    carry = jnp.concatenate(
        [jnp.zeros((1, _E), jnp.float32), chunk_tot[:-1]], axis=0)
    prefix = (within + carry[:, None, :]).reshape(_T, _E)
    counts = chunk_tot[-1]
    tiles = jnp.ceil(counts / _BLK)
    ends = jnp.cumsum(tiles)
    starts = ends - tiles
    ntile = ends[-1].astype(jnp.int32)
    base = prefix + starts[None, :] * _BLK
    pos0 = jnp.sum(base * oh0, axis=1).astype(jnp.int32)
    pos1 = jnp.sum(base * oh1, axis=1).astype(jnp.int32)
    tt = jnp.arange(_NT, dtype=jnp.float32)
    tcl = jnp.minimum(tt, ends[-1] - 1.0)
    texp = jnp.sum((ends[None, :] <= tcl[:, None]).astype(jnp.int32),
                   axis=1).astype(jnp.int32)
    return pos0, pos1, texp, ntile.reshape(1)


_NC = 2
_NS = 16
_NW = _NC * _NS


def _sc_mesh():
    return plsc.VectorSubcoreMesh(core_axis_name="c", subcore_axis_name="s",
                                  num_cores=_NC, num_subcores=_NS)


@functools.lru_cache(maxsize=None)
def _make_sc_dispatch():
    per_w = _T // _NW

    @functools.partial(
        pl.kernel,
        mesh=_sc_mesh(),
        out_type=jax.ShapeDtypeStruct((_PAD, _D), jnp.float32),
        scratch_types=[
            pltpu.VMEM((per_w,), jnp.int32),
            pltpu.VMEM((per_w,), jnp.int32),
            pltpu.VMEM((per_w, _D), jnp.float32),
            pltpu.SemaphoreType.DMA,
        ],
    )
    def d(x_hbm, p0_hbm, p1_hbm, xs_hbm, i0_v, i1_v, buf_v, sem):
        wid = lax.axis_index("s") * _NC + lax.axis_index("c")
        base = wid * per_w
        a0 = pltpu.async_copy(p0_hbm.at[pl.ds(base, per_w)], i0_v, sem)
        a1 = pltpu.async_copy(p1_hbm.at[pl.ds(base, per_w)], i1_v, sem)
        a2 = pltpu.async_copy(x_hbm.at[pl.ds(base, per_w)], buf_v, sem)
        a0.wait()
        a1.wait()
        a2.wait()
        c0 = pltpu.async_copy(buf_v, xs_hbm.at[i0_v], sem)
        c1 = pltpu.async_copy(buf_v, xs_hbm.at[i1_v], sem)
        c0.wait()
        c1.wait()

    return d


@functools.lru_cache(maxsize=None)
def _make_sc_combine():
    tok_w = _T // _NW
    asn_w = tok_w * _K
    ch_t = 16
    ch_a = ch_t * _K
    nch = tok_w // ch_t
    lanes = _D // 16

    @functools.partial(
        pl.kernel,
        mesh=_sc_mesh(),
        out_type=jax.ShapeDtypeStruct((_T, _D), jnp.float32),
        scratch_types=[
            pltpu.VMEM((asn_w,), jnp.int32),
            pltpu.VMEM((asn_w, 16), jnp.float32),
            pltpu.VMEM((2, ch_a, _D), jnp.float32),
            pltpu.VMEM((2, ch_t, _D), jnp.float32),
            pltpu.SemaphoreType.DMA,
            pltpu.SemaphoreType.DMA,
            pltpu.SemaphoreType.DMA,
        ],
    )
    def g(y_hbm, pint_hbm, wv_hbm, out_hbm, idx_v, wv_v, buf_v, obuf_v,
          isem, gsem, wsem):
        wid = lax.axis_index("s") * _NC + lax.axis_index("c")
        abase = wid * asn_w
        tbase = wid * tok_w
        i0 = pltpu.async_copy(pint_hbm.at[pl.ds(abase, asn_w)], idx_v, isem)
        i1 = pltpu.async_copy(wv_hbm.at[pl.ds(abase, asn_w)], wv_v, isem)
        i0.wait()
        i1.wait()
        gathers = [None, None]
        writes = [None, None]
        gathers[0] = pltpu.async_copy(
            y_hbm.at[idx_v.at[pl.ds(0, ch_a)]], buf_v.at[0], gsem)
        for c in range(nch):
            par = c % 2
            gathers[par].wait()
            if writes[par] is not None:
                writes[par].wait()
            if c + 1 < nch:
                gathers[1 - par] = pltpu.async_copy(
                    y_hbm.at[idx_v.at[pl.ds((c + 1) * ch_a, ch_a)]],
                    buf_v.at[1 - par], gsem)

            @plsc.parallel_loop(0, ch_t)
            def _tok(k):
                w0 = wv_v[c * ch_a + 2 * k]
                w1 = wv_v[c * ch_a + 2 * k + 1]

                @plsc.parallel_loop(0, lanes, unroll=4)
                def _lane(j):
                    s = pl.ds(j * 16, 16)
                    obuf_v[par, k, s] = (w0 * buf_v[par, 2 * k, s]
                                         + w1 * buf_v[par, 2 * k + 1, s])
            writes[par] = pltpu.async_copy(
                obuf_v.at[par], out_hbm.at[pl.ds(tbase + c * ch_t, ch_t)],
                wsem)
        writes[0].wait()
        writes[1].wait()

    return g


def _ffn_body(texp_ref, nt_ref, x_ref, w1_ref, w3_ref, w2_ref, y_ref):
    t = pl.program_id(0)

    @pl.when(t < nt_ref[0])
    def _():
        x = x_ref[...]
        h1 = jnp.dot(x, w1_ref[0], preferred_element_type=jnp.float32)
        h3 = jnp.dot(x, w3_ref[0], preferred_element_type=jnp.float32)
        h = (h1 * jax.nn.sigmoid(h1)) * h3
        y_ref[...] = jnp.dot(h, w2_ref[0], preferred_element_type=jnp.float32)


def _ffn(texp, nt, xs, w1, w3, w2):
    grid_spec = pltpu.PrefetchScalarGridSpec(
        num_scalar_prefetch=2,
        grid=(_NT,),
        in_specs=[
            pl.BlockSpec((_BLK, _D),
                         lambda t, texp, nt: (jnp.minimum(t, nt[0] - 1), 0)),
            pl.BlockSpec((1, _D, _F), lambda t, texp, nt: (texp[t], 0, 0)),
            pl.BlockSpec((1, _D, _F), lambda t, texp, nt: (texp[t], 0, 0)),
            pl.BlockSpec((1, _F, _D), lambda t, texp, nt: (texp[t], 0, 0)),
        ],
        out_specs=pl.BlockSpec((_BLK, _D),
                               lambda t, texp, nt: (jnp.minimum(t, nt[0] - 1), 0)),
    )
    return pl.pallas_call(
        _ffn_body,
        grid_spec=grid_spec,
        out_shape=jax.ShapeDtypeStruct((_PAD, _D), jnp.float32),
    )(texp, nt, xs, w1, w3, w2)


def kernel(hidden_states, gate_w, w1, w3, w2):
    orig_shape = hidden_states.shape
    x = hidden_states.reshape(_T, _D)
    e0_2d, e1_2d, p0_2d, p1_2d = _route(x, gate_w)
    pos0, pos1, texp, nt = _route_meta(e0_2d[0], e1_2d[0])
    xs = _make_sc_dispatch()(x, pos0, pos1)
    y = _ffn(texp, nt, xs, w1, w3, w2)
    pint = jnp.stack([pos0, pos1], axis=1).reshape(-1)
    wint = jnp.stack([p0_2d[0], p1_2d[0]], axis=1).reshape(-1)
    wv = jnp.broadcast_to(wint[:, None], (_A, 16))
    out = _make_sc_combine()(y, pint, wv)
    return out.reshape(orig_shape)

# --- scband reference (transcript-rebuilt; emitter-appended) ---
"""Pipeline reference for scband-mixtral-mo-e-44659069944439 (READ-ONLY COPY).

The authoritative reference and input builder live on the scoring server;
editing this copy changes nothing except your own understanding.
"""

import jax, jax.numpy as jnp
import numpy as np

E = 64
TOPK = 2
D = 1024
DFF = 1024
B = 1
S = 2048


def setup_inputs(seed: int = 0) -> dict:
    key = jax.random.key(seed)
    ks = jax.random.split(key, 5)
    hidden_states = jax.random.normal(ks[0], (B, S, D), dtype=jnp.float32)
    gate_w = jax.random.normal(ks[1], (E, D), dtype=jnp.float32) * 0.02
    w1 = jax.random.normal(ks[2], (E, D, DFF), dtype=jnp.float32) * 0.02
    w3 = jax.random.normal(ks[3], (E, D, DFF), dtype=jnp.float32) * 0.02
    w2 = jax.random.normal(ks[4], (E, DFF, D), dtype=jnp.float32) * 0.02
    return {"hidden_states": hidden_states, "gate_w": gate_w, "w1": w1, "w3": w3, "w2": w2}


def _moe(hidden_states, gate_w, w1, w3, w2):
    orig_shape = hidden_states.shape
    x = hidden_states.reshape(-1, D)
    T = x.shape[0]
    # router: nn.Linear(hidden_size, num_local_experts, bias=False)
    router_logits = x @ gate_w.T
    probs = jax.nn.softmax(router_logits, axis=-1)
    topk_vals, topk_idx = jax.lax.top_k(probs, TOPK)
    # renormalize=True
    topk_vals = topk_vals / jnp.sum(topk_vals, axis=-1, keepdims=True)
    # build [T, E] combine weights via scatter-add
    combine = jnp.zeros((T, E), dtype=x.dtype).at[jnp.arange(T)[:, None], topk_idx].add(topk_vals)
    # SwiGLU experts, reduce_results=True (weighted sum over experts)
    def step(acc, ws):
        w1e, w3e, w2e, ce = ws
        h = jax.nn.silu(x @ w1e) * (x @ w3e)
        return acc + ce[:, None] * (h @ w2e), None

    acc0 = jnp.zeros_like(x)
    out, _ = jax.lax.scan(step, acc0, (w1, w3, w2, combine.T))
    return out.reshape(orig_shape)


def reference(hidden_states, gate_w, w1, w3, w2):
    return _moe(hidden_states, gate_w, w1, w3, w2)

if __name__ == "__main__":
    import jax
    _d = setup_inputs()
    print(jax.jit(kernel)(*tuple(_d.values())))

</pallas_src>

<mosaic_0001>
#map = affine_map<(d0, d1) -> (0, 0)>
#map1 = affine_map<(d0, d1) -> (0)>
module attributes {stable_mosaic.version = 14 : i64} {
  func.func @g(%arg0: i32, %arg1: i32, %arg2: memref<12288x1024xf32, #tpu.memory_space<hbm>>, %arg3: memref<4096xi32, #tpu.memory_space<hbm>>, %arg4: memref<4096x16xf32, #tpu.memory_space<hbm>>, %arg5: memref<2048x1024xf32, #tpu.memory_space<hbm>>, %arg6: memref<128xi32, #tpu.memory_space<vmem>>, %arg7: memref<128x16xf32, #tpu.memory_space<vmem>>, %arg8: memref<2x32x1024xf32, #tpu.memory_space<vmem>>, %arg9: memref<2x16x1024xf32, #tpu.memory_space<vmem>>, %arg10: memref<!tpu.dma_semaphore, #tpu.memory_space<semaphore_mem>>, %arg11: memref<!tpu.dma_semaphore, #tpu.memory_space<semaphore_mem>>, %arg12: memref<!tpu.dma_semaphore, #tpu.memory_space<semaphore_mem>>) attributes {dimension_semantics = [#tpu.dimension_semantics<core_parallel>, #tpu.dimension_semantics<subcore_parallel>], iteration_bounds = array<i64: 2, 16>, scalar_prefetch = 0 : i64, scratch_operands = 7 : i64, tpu.core_type = #tpu.core_type<sc_vector_subcore>, window_params = [{transform_indices = #map}, {transform_indices = #map1}, {transform_indices = #map}, {transform_indices = #map}]} {
    %mul3A = arith.constant 2 : i32
    %mul3A_0 = arith.muli %arg1, %mul3A : i32
    %add3A = arith.addi %mul3A_0, %arg0 : i32
    %mul3A_1 = arith.constant 128 : i32
    %mul3A_2 = arith.muli %add3A, %mul3A_1 : i32
    %mul3A_3 = arith.constant 64 : i32
    %mul3A_4 = arith.muli %add3A, %mul3A_3 : i32
    %dma_start3A = tpu.memref_slice %arg3[%mul3A_2] : memref<4096xi32, #tpu.memory_space<hbm>> -> memref<128xi32, #tpu.memory_space<hbm>>
    %dma_start3A_5 = tpu.memref_slice %arg3[%mul3A_2] : memref<4096xi32, #tpu.memory_space<hbm>> -> memref<128xi32, #tpu.memory_space<hbm>>
    tpu.enqueue_dma source(%dma_start3A_5 : memref<128xi32, #tpu.memory_space<hbm>>) target(%arg6 : memref<128xi32, #tpu.memory_space<vmem>>) target_semaphore(%arg10 : memref<!tpu.dma_semaphore, #tpu.memory_space<semaphore_mem>>)
    %dma_start3A_6 = arith.constant 0 : i32
    %dma_start3A_7 = tpu.memref_slice %arg4[%mul3A_2, %dma_start3A_6] : memref<4096x16xf32, #tpu.memory_space<hbm>> -> memref<128x16xf32, #tpu.memory_space<hbm>>
    %dma_start3A_8 = arith.constant 0 : i32
    %dma_start3A_9 = tpu.memref_slice %arg4[%mul3A_2, %dma_start3A_8] : memref<4096x16xf32, #tpu.memory_space<hbm>> -> memref<128x16xf32, #tpu.memory_space<hbm>>
    tpu.enqueue_dma source(%dma_start3A_9 : memref<128x16xf32, #tpu.memory_space<hbm>>) target(%arg7 : memref<128x16xf32, #tpu.memory_space<vmem>>) target_semaphore(%arg10 : memref<!tpu.dma_semaphore, #tpu.memory_space<semaphore_mem>>)
    %dma_wait3A = tpu.memref_slice %arg3[%mul3A_2] : memref<4096xi32, #tpu.memory_space<hbm>> -> memref<128xi32, #tpu.memory_space<hbm>>
    %dma_wait3A_10 = tpu.memref_slice %arg3[%mul3A_2] : memref<4096xi32, #tpu.memory_space<hbm>> -> memref<128xi32, #tpu.memory_space<hbm>>
    tpu.wait_dma2 semaphore(%arg10 : memref<!tpu.dma_semaphore, #tpu.memory_space<semaphore_mem>>) src(%dma_wait3A_10 : memref<128xi32, #tpu.memory_space<hbm>>) dst(%arg6 : memref<128xi32, #tpu.memory_space<vmem>>)
    %dma_wait3A_11 = arith.constant 0 : i32
    %dma_wait3A_12 = tpu.memref_slice %arg4[%mul3A_2, %dma_wait3A_11] : memref<4096x16xf32, #tpu.memory_space<hbm>> -> memref<128x16xf32, #tpu.memory_space<hbm>>
    %dma_wait3A_13 = arith.constant 0 : i32
    %dma_wait3A_14 = tpu.memref_slice %arg4[%mul3A_2, %dma_wait3A_13] : memref<4096x16xf32, #tpu.memory_space<hbm>> -> memref<128x16xf32, #tpu.memory_space<hbm>>
    tpu.wait_dma2 semaphore(%arg10 : memref<!tpu.dma_semaphore, #tpu.memory_space<semaphore_mem>>) src(%dma_wait3A_14 : memref<128x16xf32, #tpu.memory_space<hbm>>) dst(%arg7 : memref<128x16xf32, #tpu.memory_space<vmem>>)
    %dma_start3A_15 = arith.constant 0 : i32
    %dma_start3A_16 = arith.constant 0 : i32
    %dma_start3A_17 = arith.constant 0 : i32
    %dma_start3A_18 = tpu.memref_slice %arg8[%dma_start3A_15, %dma_start3A_16, %dma_start3A_17] : memref<2x32x1024xf32, #tpu.memory_space<vmem>> -> memref<1x32x1024xf32, #tpu.memory_space<vmem>>
    %dma_start3A_19 = tpu.memref_squeeze %dma_start3A_18 : memref<1x32x1024xf32, #tpu.memory_space<vmem>> -> memref<32x1024xf32, #tpu.memory_space<vmem>>
    %dma_start3A_20 = arith.constant 0 : i32
    %dma_start3A_21 = tpu.memref_slice %arg6[%dma_start3A_20] : memref<128xi32, #tpu.memory_space<vmem>> -> memref<32xi32, #tpu.memory_space<vmem>>
    %dma_start3A_22 = arith.constant 0 : i32
    %dma_start3A_23 = arith.constant 0 : i32
    %dma_start3A_24 = tpu.memref_slice %arg2[%dma_start3A_22, %dma_start3A_23] : memref<12288x1024xf32, #tpu.memory_space<hbm>> -> memref<12288x1024xf32, #tpu.memory_space<hbm>>
    tpu.enqueue_indirect_dma source(%dma_start3A_24 : memref<12288x1024xf32, #tpu.memory_space<hbm>>) target(%dma_start3A_19 : memref<32x1024xf32, #tpu.memory_space<vmem>>) offsets(%dma_start3A_21 : memref<32xi32, #tpu.memory_space<vmem>>) semaphore(%arg11 : memref<!tpu.dma_semaphore, #tpu.memory_space<semaphore_mem>>)
    %dma_wait3A_25 = arith.constant 0 : i32
    %dma_wait3A_26 = arith.constant 0 : i32
    %dma_wait3A_27 = arith.constant 0 : i32
    %dma_wait3A_28 = tpu.memref_slice %arg8[%dma_wait3A_25, %dma_wait3A_26, %dma_wait3A_27] : memref<2x32x1024xf32, #tpu.memory_space<vmem>> -> memref<1x32x1024xf32, #tpu.memory_space<vmem>>
    %dma_wait3A_29 = tpu.memref_squeeze %dma_wait3A_28 : memref<1x32x1024xf32, #tpu.memory_space<vmem>> -> memref<32x1024xf32, #tpu.memory_space<vmem>>
    %dma_wait3A_30 = arith.constant 0 : i32
    %dma_wait3A_31 = tpu.memref_slice %arg6[%dma_wait3A_30] : memref<128xi32, #tpu.memory_space<vmem>> -> memref<32xi32, #tpu.memory_space<vmem>>
    %dma_wait3A_32 = arith.constant 0 : i32
    %dma_wait3A_33 = arith.constant 0 : i32
    %dma_wait3A_34 = tpu.memref_slice %arg2[%dma_wait3A_32, %dma_wait3A_33] : memref<12288x1024xf32, #tpu.memory_space<hbm>> -> memref<12288x1024xf32, #tpu.memory_space<hbm>>
    tpu.wait_indirect_dma semaphore(%arg11 : memref<!tpu.dma_semaphore, #tpu.memory_space<semaphore_mem>>) src(%dma_wait3A_34 : memref<12288x1024xf32, #tpu.memory_space<hbm>>) dst(%dma_wait3A_29 : memref<32x1024xf32, #tpu.memory_space<vmem>>)
    %dma_start3A_35 = arith.constant 1 : i32
    %dma_start3A_36 = arith.constant 0 : i32
    %dma_start3A_37 = arith.constant 0 : i32
    %dma_start3A_38 = tpu.memref_slice %arg8[%dma_start3A_35, %dma_start3A_36, %dma_start3A_37] : memref<2x32x1024xf32, #tpu.memory_space<vmem>> -> memref<1x32x1024xf32, #tpu.memory_space<vmem>>
    %dma_start3A_39 = tpu.memref_squeeze %dma_start3A_38 : memref<1x32x1024xf32, #tpu.memory_space<vmem>> -> memref<32x1024xf32, #tpu.memory_space<vmem>>
    %dma_start3A_40 = arith.constant 32 : i32
    %dma_start3A_41 = tpu.memref_slice %arg6[%dma_start3A_40] : memref<128xi32, #tpu.memory_space<vmem>> -> memref<32xi32, #tpu.memory_space<vmem>>
    %dma_start3A_42 = arith.constant 0 : i32
    %dma_start3A_43 = arith.constant 0 : i32
    %dma_start3A_44 = tpu.memref_slice %arg2[%dma_start3A_42, %dma_start3A_43] : memref<12288x1024xf32, #tpu.memory_space<hbm>> -> memref<12288x1024xf32, #tpu.memory_space<hbm>>
    tpu.enqueue_indirect_dma source(%dma_start3A_44 : memref<12288x1024xf32, #tpu.memory_space<hbm>>) target(%dma_start3A_39 : memref<32x1024xf32, #tpu.memory_space<vmem>>) offsets(%dma_start3A_41 : memref<32xi32, #tpu.memory_space<vmem>>) semaphore(%arg11 : memref<!tpu.dma_semaphore, #tpu.memory_space<semaphore_mem>>)
    %parallel_loop3A = arith.constant 0 : i32
    %parallel_loop3A_45 = arith.constant 16 : i32
    %parallel_loop3A_46 = arith.constant 1 : i32
    scf.for %parallel_loop3A_218 = %parallel_loop3A to %parallel_loop3A_45 step %parallel_loop3A_46  : i32 {
      %parallel_loop3A_219 = arith.constant 2 : i32
      %parallel_loop3A_220 = arith.muli %parallel_loop3A_219, %parallel_loop3A_218 : i32
      %parallel_loop3A_221 = arith.constant 0 : i32
      %parallel_loop3A_222 = arith.addi %parallel_loop3A_221, %parallel_loop3A_220 : i32
      %parallel_loop3A_223 = arith.index_cast %parallel_loop3A_222 : i32 to index
      %parallel_loop3A_224 = arith.constant 0 : index
      %parallel_loop3A_225 = tpu.vector_load %arg7[%parallel_loop3A_223, %parallel_loop3A_224] {strides = array<i32>} : memref<128x16xf32, #tpu.memory_space<vmem>>, vector<1x16xf32>,
      %parallel_loop3A_226 = vector.shape_cast %parallel_loop3A_225 : vector<1x16xf32> to vector<16xf32>
      %parallel_loop3A_227 = arith.constant 2 : i32
      %parallel_loop3A_228 = arith.muli %parallel_loop3A_227, %parallel_loop3A_218 : i32
      %parallel_loop3A_229 = arith.constant 0 : i32
      %parallel_loop3A_230 = arith.addi %parallel_loop3A_229, %parallel_loop3A_228 : i32
      %parallel_loop3A_231 = arith.constant 1 : i32
      %parallel_loop3A_232 = arith.addi %parallel_loop3A_230, %parallel_loop3A_231 : i32
      %parallel_loop3A_233 = arith.index_cast %parallel_loop3A_232 : i32 to index
      %parallel_loop3A_234 = arith.constant 0 : index
      %parallel_loop3A_235 = tpu.vector_load %arg7[%parallel_loop3A_233, %parallel_loop3A_234] {strides = array<i32>} : memref<128x16xf32, #tpu.memory_space<vmem>>, vector<1x16xf32>,
      %parallel_loop3A_236 = vector.shape_cast %parallel_loop3A_235 : vector<1x16xf32> to vector<16xf32>
      %parallel_loop3A_237 = arith.constant 0 : i32
      %parallel_loop3A_238 = arith.constant 64 : i32
      %parallel_loop3A_239 = arith.constant 1 : i32
      scf.for %parallel_loop3A_240 = %parallel_loop3A_237 to %parallel_loop3A_238 step %parallel_loop3A_239  : i32 {
        %parallel_loop3A_241 = arith.constant 16 : i32
        %parallel_loop3A_242 = arith.muli %parallel_loop3A_240, %parallel_loop3A_241 : i32
        %parallel_loop3A_243 = arith.constant 2 : i32
        %parallel_loop3A_244 = arith.muli %parallel_loop3A_243, %parallel_loop3A_218 : i32
        %parallel_loop3A_245 = arith.constant 0 : i32
        %parallel_loop3A_246 = arith.index_cast %parallel_loop3A_245 : i32 to index
        %parallel_loop3A_247 = arith.index_cast %parallel_loop3A_244 : i32 to index
        %parallel_loop3A_248 = arith.index_cast %parallel_loop3A_242 : i32 to index
        %parallel_loop3A_249 = tpu.vector_load %arg8[%parallel_loop3A_246, %parallel_loop3A_247, %parallel_loop3A_248] {strides = array<i32>} : memref<2x32x1024xf32, #tpu.memory_space<vmem>>, vector<1x1x16xf32>,
        %parallel_loop3A_250 = vector.shape_cast %parallel_loop3A_249 : vector<1x1x16xf32> to vector<16xf32>
        %parallel_loop3A_251 = arith.mulf %parallel_loop3A_226, %parallel_loop3A_250 : vector<16xf32>
        %parallel_loop3A_252 = arith.constant 2 : i32
        %parallel_loop3A_253 = arith.muli %parallel_loop3A_252, %parallel_loop3A_218 : i32
        %parallel_loop3A_254 = arith.constant 1 : i32
        %parallel_loop3A_255 = arith.addi %parallel_loop3A_253, %parallel_loop3A_254 : i32
        %parallel_loop3A_256 = arith.constant 0 : i32
        %parallel_loop3A_257 = arith.index_cast %parallel_loop3A_256 : i32 to index
        %parallel_loop3A_258 = arith.index_cast %parallel_loop3A_255 : i32 to index
        %parallel_loop3A_259 = arith.index_cast %parallel_loop3A_242 : i32 to index
        %parallel_loop3A_260 = tpu.vector_load %arg8[%parallel_loop3A_257, %parallel_loop3A_258, %parallel_loop3A_259] {strides = array<i32>} : memref<2x32x1024xf32, #tpu.memory_space<vmem>>, vector<1x1x16xf32>,
        %parallel_loop3A_261 = vector.shape_cast %parallel_loop3A_260 : vector<1x1x16xf32> to vector<16xf32>
        %parallel_loop3A_262 = arith.mulf %parallel_loop3A_236, %parallel_loop3A_261 : vector<16xf32>
        %parallel_loop3A_263 = arith.addf %parallel_loop3A_251, %parallel_loop3A_262 : vector<16xf32>
        %parallel_loop3A_264 = arith.constant 0 : i32
        %parallel_loop3A_265 = arith.index_cast %parallel_loop3A_264 : i32 to index
        %parallel_loop3A_266 = arith.index_cast %parallel_loop3A_218 : i32 to index
        %parallel_loop3A_267 = arith.index_cast %parallel_loop3A_242 : i32 to index
        %parallel_loop3A_268 = tpu.vector_load %arg9[%parallel_loop3A_265, %parallel_loop3A_266, %parallel_loop3A_267] {strides = array<i32>} : memref<2x16x1024xf32, #tpu.memory_space<vmem>>, vector<1x1x16xf32>,
        %parallel_loop3A_269 = vector.shape_cast %parallel_loop3A_268 : vector<1x1x16xf32> to vector<16xf32>
        %parallel_loop3A_270 = vector.shape_cast %parallel_loop3A_263 : vector<16xf32> to vector<1x1x16xf32>
        tpu.vector_store %arg9[%parallel_loop3A_265, %parallel_loop3A_266, %parallel_loop3A_267], %parallel_loop3A_270 {strides = array<i32>} : memref<2x16x1024xf32, #tpu.memory_space<vmem>>, vector<1x1x16xf32>,
      } {sc.loop_unroll_factor = 4 : i64, sc.parallel_access}
    } {sc.loop_unroll_factor = 1 : i64, sc.parallel_access}
    %add3A_47 = arith.constant 0 : i32
    %add3A_48 = arith.addi %mul3A_4, %add3A_47 : i32
    %dma_start3A_49 = arith.constant 0 : i32
    %dma_start3A_50 = arith.constant 0 : i32
    %dma_start3A_51 = arith.constant 0 : i32
    %dma_start3A_52 = tpu.memref_slice %arg9[%dma_start3A_49, %dma_start3A_50, %dma_start3A_51] : memref<2x16x1024xf32, #tpu.memory_space<vmem>> -> memref<1x16x1024xf32, #tpu.memory_space<vmem>>
    %dma_start3A_53 = tpu.memref_squeeze %dma_start3A_52 : memref<1x16x1024xf32, #tpu.memory_space<vmem>> -> memref<16x1024xf32, #tpu.memory_space<vmem>>
    %dma_start3A_54 = arith.constant 0 : i32
    %dma_start3A_55 = tpu.memref_slice %arg5[%add3A_48, %dma_start3A_54] : memref<2048x1024xf32, #tpu.memory_space<hbm>> -> memref<16x1024xf32, #tpu.memory_space<hbm>>
    %dma_start3A_56 = arith.constant 0 : i32
    %dma_start3A_57 = tpu.memref_slice %arg5[%add3A_48, %dma_start3A_56] : memref<2048x1024xf32, #tpu.memory_space<hbm>> -> memref<16x1024xf32, #tpu.memory_space<hbm>>
    %dma_start3A_58 = arith.constant 0 : i32
    %dma_start3A_59 = arith.constant 0 : i32
    %dma_start3A_60 = tpu.memref_slice %arg9[%dma_start3A_49, %dma_start3A_58, %dma_start3A_59] : memref<2x16x1024xf32, #tpu.memory_space<vmem>> -> memref<1x16x1024xf32, #tpu.memory_space<vmem>>
    %dma_start3A_61 = tpu.memref_squeeze %dma_start3A_60 : memref<1x16x1024xf32, #tpu.memory_space<vmem>> -> memref<16x1024xf32, #tpu.memory_space<vmem>>
    tpu.enqueue_dma source(%dma_start3A_61 : memref<16x1024xf32, #tpu.memory_space<vmem>>) target(%dma_start3A_57 : memref<16x1024xf32, #tpu.memory_space<hbm>>) target_semaphore(%arg12 : memref<!tpu.dma_semaphore, #tpu.memory_space<semaphore_mem>>)
    %dma_wait3A_62 = arith.constant 1 : i32
    %dma_wait3A_63 = arith.constant 0 : i32
    %dma_wait3A_64 = arith.constant 0 : i32
    %dma_wait3A_65 = tpu.memref_slice %arg8[%dma_wait3A_62, %dma_wait3A_63, %dma_wait3A_64] : memref<2x32x1024xf32, #tpu.memory_space<vmem>> -> memref<1x32x1024xf32, #tpu.memory_space<vmem>>
    %dma_wait3A_66 = tpu.memref_squeeze %dma_wait3A_65 : memref<1x32x1024xf32, #tpu.memory_space<vmem>> -> memref<32x1024xf32, #tpu.memory_space<vmem>>
    %dma_wait3A_67 = arith.constant 32 : i32
    %dma_wait3A_68 = tpu.memref_slice %arg6[%dma_wait3A_67] : memref<128xi32, #tpu.memory_space<vmem>> -> memref<32xi32, #tpu.memory_space<vmem>>
    %dma_wait3A_69 = arith.constant 0 : i32
    %dma_wait3A_70 = arith.constant 0 : i32
    %dma_wait3A_71 = tpu.memref_slice %arg2[%dma_wait3A_69, %dma_wait3A_70] : memref<12288x1024xf32, #tpu.memory_space<hbm>> -> memref<12288x1024xf32, #tpu.memory_space<hbm>>
    tpu.wait_indirect_dma semaphore(%arg11 : memref<!tpu.dma_semaphore, #tpu.memory_space<semaphore_mem>>) src(%dma_wait3A_71 : memref<12288x1024xf32, #tpu.memory_space<hbm>>) dst(%dma_wait3A_66 : memref<32x1024xf32, #tpu.memory_space<vmem>>)
    %dma_start3A_72 = arith.constant 0 : i32
    %dma_start3A_73 = arith.constant 0 : i32
    %dma_start3A_74 = arith.constant 0 : i32
    %dma_start3A_75 = tpu.memref_slice %arg8[%dma_start3A_72, %dma_start3A_73, %dma_start3A_74] : memref<2x32x1024xf32, #tpu.memory_space<vmem>> -> memref<1x32x1024xf32, #tpu.memory_space<vmem>>
    %dma_start3A_76 = tpu.memref_squeeze %dma_start3A_75 : memref<1x32x1024xf32, #tpu.memory_space<vmem>> -> memref<32x1024xf32, #tpu.memory_space<vmem>>
    %dma_start3A_77 = arith.constant 64 : i32
    %dma_start3A_78 = tpu.memref_slice %arg6[%dma_start3A_77] : memref<128xi32, #tpu.memory_space<vmem>> -> memref<32xi32, #tpu.memory_space<vmem>>
    %dma_start3A_79 = arith.constant 0 : i32
    %dma_start3A_80 = arith.constant 0 : i32
    %dma_start3A_81 = tpu.memref_slice %arg2[%dma_start3A_79, %dma_start3A_80] : memref<12288x1024xf32, #tpu.memory_space<hbm>> -> memref<12288x1024xf32, #tpu.memory_space<hbm>>
    tpu.enqueue_indirect_dma source(%dma_start3A_81 : memref<12288x1024xf32, #tpu.memory_space<hbm>>) target(%dma_start3A_76 : memref<32x1024xf32, #tpu.memory_space<vmem>>) offsets(%dma_start3A_78 : memref<32xi32, #tpu.memory_space<vmem>>) semaphore(%arg11 : memref<!tpu.dma_semaphore, #tpu.memory_space<semaphore_mem>>)
    %parallel_loop3A_82 = arith.constant 0 : i32
    %parallel_loop3A_83 = arith.constant 16 : i32
    %parallel_loop3A_84 = arith.constant 1 : i32
    scf.for %parallel_loop3A_218 = %parallel_loop3A_82 to %parallel_loop3A_83 step %parallel_loop3A_84  : i32 {
      %parallel_loop3A_219 = arith.constant 2 : i32
      %parallel_loop3A_220 = arith.muli %parallel_loop3A_219, %parallel_loop3A_218 : i32
      %parallel_loop3A_221 = arith.constant 32 : i32
      %parallel_loop3A_222 = arith.addi %parallel_loop3A_221, %parallel_loop3A_220 : i32
      %parallel_loop3A_223 = arith.index_cast %parallel_loop3A_222 : i32 to index
      %parallel_loop3A_224 = arith.constant 0 : index
      %parallel_loop3A_225 = tpu.vector_load %arg7[%parallel_loop3A_223, %parallel_loop3A_224] {strides = array<i32>} : memref<128x16xf32, #tpu.memory_space<vmem>>, vector<1x16xf32>,
      %parallel_loop3A_226 = vector.shape_cast %parallel_loop3A_225 : vector<1x16xf32> to vector<16xf32>
      %parallel_loop3A_227 = arith.constant 2 : i32
      %parallel_loop3A_228 = arith.muli %parallel_loop3A_227, %parallel_loop3A_218 : i32
      %parallel_loop3A_229 = arith.constant 32 : i32
      %parallel_loop3A_230 = arith.addi %parallel_loop3A_229, %parallel_loop3A_228 : i32
      %parallel_loop3A_231 = arith.constant 1 : i32
      %parallel_loop3A_232 = arith.addi %parallel_loop3A_230, %parallel_loop3A_231 : i32
      %parallel_loop3A_233 = arith.index_cast %parallel_loop3A_232 : i32 to index
      %parallel_loop3A_234 = arith.constant 0 : index
      %parallel_loop3A_235 = tpu.vector_load %arg7[%parallel_loop3A_233, %parallel_loop3A_234] {strides = array<i32>} : memref<128x16xf32, #tpu.memory_space<vmem>>, vector<1x16xf32>,
      %parallel_loop3A_236 = vector.shape_cast %parallel_loop3A_235 : vector<1x16xf32> to vector<16xf32>
      %parallel_loop3A_237 = arith.constant 0 : i32
      %parallel_loop3A_238 = arith.constant 64 : i32
      %parallel_loop3A_239 = arith.constant 1 : i32
      scf.for %parallel_loop3A_240 = %parallel_loop3A_237 to %parallel_loop3A_238 step %parallel_loop3A_239  : i32 {
        %parallel_loop3A_241 = arith.constant 16 : i32
        %parallel_loop3A_242 = arith.muli %parallel_loop3A_240, %parallel_loop3A_241 : i32
        %parallel_loop3A_243 = arith.constant 2 : i32
        %parallel_loop3A_244 = arith.muli %parallel_loop3A_243, %parallel_loop3A_218 : i32
        %parallel_loop3A_245 = arith.constant 1 : i32
        %parallel_loop3A_246 = arith.index_cast %parallel_loop3A_245 : i32 to index
        %parallel_loop3A_247 = arith.index_cast %parallel_loop3A_244 : i32 to index
        %parallel_loop3A_248 = arith.index_cast %parallel_loop3A_242 : i32 to index
        %parallel_loop3A_249 = tpu.vector_load %arg8[%parallel_loop3A_246, %parallel_loop3A_247, %parallel_loop3A_248] {strides = array<i32>} : memref<2x32x1024xf32, #tpu.memory_space<vmem>>, vector<1x1x16xf32>,
        %parallel_loop3A_250 = vector.shape_cast %parallel_loop3A_249 : vector<1x1x16xf32> to vector<16xf32>
        %parallel_loop3A_251 = arith.mulf %parallel_loop3A_226, %parallel_loop3A_250 : vector<16xf32>
        %parallel_loop3A_252 = arith.constant 2 : i32
        %parallel_loop3A_253 = arith.muli %parallel_loop3A_252, %parallel_loop3A_218 : i32
        %parallel_loop3A_254 = arith.constant 1 : i32
        %parallel_loop3A_255 = arith.addi %parallel_loop3A_253, %parallel_loop3A_254 : i32
        %parallel_loop3A_256 = arith.constant 1 : i32
        %parallel_loop3A_257 = arith.index_cast %parallel_loop3A_256 : i32 to index
        %parallel_loop3A_258 = arith.index_cast %parallel_loop3A_255 : i32 to index
        %parallel_loop3A_259 = arith.index_cast %parallel_loop3A_242 : i32 to index
        %parallel_loop3A_260 = tpu.vector_load %arg8[%parallel_loop3A_257, %parallel_loop3A_258, %parallel_loop3A_259] {strides = array<i32>} : memref<2x32x1024xf32, #tpu.memory_space<vmem>>, vector<1x1x16xf32>,
        %parallel_loop3A_261 = vector.shape_cast %parallel_loop3A_260 : vector<1x1x16xf32> to vector<16xf32>
        %parallel_loop3A_262 = arith.mulf %parallel_loop3A_236, %parallel_loop3A_261 : vector<16xf32>
        %parallel_loop3A_263 = arith.addf %parallel_loop3A_251, %parallel_loop3A_262 : vector<16xf32>
        %parallel_loop3A_264 = arith.constant 1 : i32
        %parallel_loop3A_265 = arith.index_cast %parallel_loop3A_264 : i32 to index
        %parallel_loop3A_266 = arith.index_cast %parallel_loop3A_218 : i32 to index
        %parallel_loop3A_267 = arith.index_cast %parallel_loop3A_242 : i32 to index
        %parallel_loop3A_268 = tpu.vector_load %arg9[%parallel_loop3A_265, %parallel_loop3A_266, %parallel_loop3A_267] {strides = array<i32>} : memref<2x16x1024xf32, #tpu.memory_space<vmem>>, vector<1x1x16xf32>,
        %parallel_loop3A_269 = vector.shape_cast %parallel_loop3A_268 : vector<1x1x16xf32> to vector<16xf32>
        %parallel_loop3A_270 = vector.shape_cast %parallel_loop3A_263 : vector<16xf32> to vector<1x1x16xf32>
        tpu.vector_store %arg9[%parallel_loop3A_265, %parallel_loop3A_266, %parallel_loop3A_267], %parallel_loop3A_270 {strides = array<i32>} : memref<2x16x1024xf32, #tpu.memory_space<vmem>>, vector<1x1x16xf32>,
      } {sc.loop_unroll_factor = 4 : i64, sc.parallel_access}
    } {sc.loop_unroll_factor = 1 : i64, sc.parallel_access}
    %add3A_85 = arith.constant 16 : i32
    %add3A_86 = arith.addi %mul3A_4, %add3A_85 : i32
    %dma_start3A_87 = arith.constant 1 : i32
    %dma_start3A_88 = arith.constant 0 : i32
    %dma_start3A_89 = arith.constant 0 : i32
    %dma_start3A_90 = tpu.memref_slice %arg9[%dma_start3A_87, %dma_start3A_88, %dma_start3A_89] : memref<2x16x1024xf32, #tpu.memory_space<vmem>> -> memref<1x16x1024xf32, #tpu.memory_space<vmem>>
    %dma_start3A_91 = tpu.memref_squeeze %dma_start3A_90 : memref<1x16x1024xf32, #tpu.memory_space<vmem>> -> memref<16x1024xf32, #tpu.memory_space<vmem>>
    %dma_start3A_92 = arith.constant 0 : i32
    %dma_start3A_93 = tpu.memref_slice %arg5[%add3A_86, %dma_start3A_92] : memref<2048x1024xf32, #tpu.memory_space<hbm>> -> memref<16x1024xf32, #tpu.memory_space<hbm>>
    %dma_start3A_94 = arith.constant 0 : i32
    %dma_start3A_95 = tpu.memref_slice %arg5[%add3A_86, %dma_start3A_94] : memref<2048x1024xf32, #tpu.memory_space<hbm>> -> memref<16x1024xf32, #tpu.memory_space<hbm>>
    %dma_start3A_96 = arith.constant 0 : i32
    %dma_start3A_97 = arith.constant 0 : i32
    %dma_start3A_98 = tpu.memref_slice %arg9[%dma_start3A_87, %dma_start3A_96, %dma_start3A_97] : memref<2x16x1024xf32, #tpu.memory_space<vmem>> -> memref<1x16x1024xf32, #tpu.memory_space<vmem>>
    %dma_start3A_99 = tpu.memref_squeeze %dma_start3A_98 : memref<1x16x1024xf32, #tpu.memory_space<vmem>> -> memref<16x1024xf32, #tpu.memory_space<vmem>>
    tpu.enqueue_dma source(%dma_start3A_99 : memref<16x1024xf32, #tpu.memory_space<vmem>>) target(%dma_start3A_95 : memref<16x1024xf32, #tpu.memory_space<hbm>>) target_semaphore(%arg12 : memref<!tpu.dma_semaphore, #tpu.memory_space<semaphore_mem>>)
    %dma_wait3A_100 = arith.constant 0 : i32
    %dma_wait3A_101 = arith.constant 0 : i32
    %dma_wait3A_102 = arith.constant 0 : i32
    %dma_wait3A_103 = tpu.memref_slice %arg8[%dma_wait3A_100, %dma_wait3A_101, %dma_wait3A_102] : memref<2x32x1024xf32, #tpu.memory_space<vmem>> -> memref<1x32x1024xf32, #tpu.memory_space<vmem>>
    %dma_wait3A_104 = tpu.memref_squeeze %dma_wait3A_103 : memref<1x32x1024xf32, #tpu.memory_space<vmem>> -> memref<32x1024xf32, #tpu.memory_space<vmem>>
    %dma_wait3A_105 = arith.constant 64 : i32
    %dma_wait3A_106 = tpu.memref_slice %arg6[%dma_wait3A_105] : memref<128xi32, #tpu.memory_space<vmem>> -> memref<32xi32, #tpu.memory_space<vmem>>
    %dma_wait3A_107 = arith.constant 0 : i32
    %dma_wait3A_108 = arith.constant 0 : i32
    %dma_wait3A_109 = tpu.memref_slice %arg2[%dma_wait3A_107, %dma_wait3A_108] : memref<12288x1024xf32, #tpu.memory_space<hbm>> -> memref<12288x1024xf32, #tpu.memory_space<hbm>>
    tpu.wait_indirect_dma semaphore(%arg11 : memref<!tpu.dma_semaphore, #tpu.memory_space<semaphore_mem>>) src(%dma_wait3A_109 : memref<12288x1024xf32, #tpu.memory_space<hbm>>) dst(%dma_wait3A_104 : memref<32x1024xf32, #tpu.memory_space<vmem>>)
    %dma_wait3A_110 = arith.constant 0 : i32
    %dma_wait3A_111 = arith.constant 0 : i32
    %dma_wait3A_112 = arith.constant 0 : i32
    %dma_wait3A_113 = tpu.memref_slice %arg9[%dma_wait3A_110, %dma_wait3A_111, %dma_wait3A_112] : memref<2x16x1024xf32, #tpu.memory_space<vmem>> -> memref<1x16x1024xf32, #tpu.memory_space<vmem>>
    %dma_wait3A_114 = tpu.memref_squeeze %dma_wait3A_113 : memref<1x16x1024xf32, #tpu.memory_space<vmem>> -> memref<16x1024xf32, #tpu.memory_space<vmem>>
    %dma_wait3A_115 = arith.constant 0 : i32
    %dma_wait3A_116 = tpu.memref_slice %arg5[%add3A_48, %dma_wait3A_115] : memref<2048x1024xf32, #tpu.memory_space<hbm>> -> memref<16x1024xf32, #tpu.memory_space<hbm>>
    %dma_wait3A_117 = arith.constant 0 : i32
    %dma_wait3A_118 = tpu.memref_slice %arg5[%add3A_48, %dma_wait3A_117] : memref<2048x1024xf32, #tpu.memory_space<hbm>> -> memref<16x1024xf32, #tpu.memory_space<hbm>>
    %dma_wait3A_119 = arith.constant 0 : i32
    %dma_wait3A_120 = arith.constant 0 : i32
    %dma_wait3A_121 = tpu.memref_slice %arg9[%dma_wait3A_110, %dma_wait3A_119, %dma_wait3A_120] : memref<2x16x1024xf32, #tpu.memory_space<vmem>> -> memref<1x16x1024xf32, #tpu.memory_space<vmem>>
    %dma_wait3A_122 = tpu.memref_squeeze %dma_wait3A_121 : memref<1x16x1024xf32, #tpu.memory_space<vmem>> -> memref<16x1024xf32, #tpu.memory_space<vmem>>
    tpu.wait_dma2 semaphore(%arg12 : memref<!tpu.dma_semaphore, #tpu.memory_space<semaphore_mem>>) src(%dma_wait3A_122 : memref<16x1024xf32, #tpu.memory_space<vmem>>) dst(%dma_wait3A_118 : memref<16x1024xf32, #tpu.memory_space<hbm>>)
    %dma_start3A_123 = arith.constant 1 : i32
    %dma_start3A_124 = arith.constant 0 : i32
    %dma_start3A_125 = arith.constant 0 : i32
    %dma_start3A_126 = tpu.memref_slice %arg8[%dma_start3A_123, %dma_start3A_124, %dma_start3A_125] : memref<2x32x1024xf32, #tpu.memory_space<vmem>> -> memref<1x32x1024xf32, #tpu.memory_space<vmem>>
    %dma_start3A_127 = tpu.memref_squeeze %dma_start3A_126 : memref<1x32x1024xf32, #tpu.memory_space<vmem>> -> memref<32x1024xf32, #tpu.memory_space<vmem>>
    %dma_start3A_128 = arith.constant 96 : i32
    %dma_start3A_129 = tpu.memref_slice %arg6[%dma_start3A_128] : memref<128xi32, #tpu.memory_space<vmem>> -> memref<32xi32, #tpu.memory_space<vmem>>
    %dma_start3A_130 = arith.constant 0 : i32
    %dma_start3A_131 = arith.constant 0 : i32
    %dma_start3A_132 = tpu.memref_slice %arg2[%dma_start3A_130, %dma_start3A_131] : memref<12288x1024xf32, #tpu.memory_space<hbm>> -> memref<12288x1024xf32, #tpu.memory_space<hbm>>
    tpu.enqueue_indirect_dma source(%dma_start3A_132 : memref<12288x1024xf32, #tpu.memory_space<hbm>>) target(%dma_start3A_127 : memref<32x1024xf32, #tpu.memory_space<vmem>>) offsets(%dma_start3A_129 : memref<32xi32, #tpu.memory_space<vmem>>) semaphore(%arg11 : memref<!tpu.dma_semaphore, #tpu.memory_space<semaphore_mem>>)
    %parallel_loop3A_133 = arith.constant 0 : i32
    %parallel_loop3A_134 = arith.constant 16 : i32
    %parallel_loop3A_135 = arith.constant 1 : i32
    scf.for %parallel_loop3A_218 = %parallel_loop3A_133 to %parallel_loop3A_134 step %parallel_loop3A_135  : i32 {
      %parallel_loop3A_219 = arith.constant 2 : i32
      %parallel_loop3A_220 = arith.muli %parallel_loop3A_219, %parallel_loop3A_218 : i32
      %parallel_loop3A_221 = arith.constant 64 : i32
      %parallel_loop3A_222 = arith.addi %parallel_loop3A_221, %parallel_loop3A_220 : i32
      %parallel_loop3A_223 = arith.index_cast %parallel_loop3A_222 : i32 to index
      %parallel_loop3A_224 = arith.constant 0 : index
      %parallel_loop3A_225 = tpu.vector_load %arg7[%parallel_loop3A_223, %parallel_loop3A_224] {strides = array<i32>} : memref<128x16xf32, #tpu.memory_space<vmem>>, vector<1x16xf32>,
      %parallel_loop3A_226 = vector.shape_cast %parallel_loop3A_225 : vector<1x16xf32> to vector<16xf32>
      %parallel_loop3A_227 = arith.constant 2 : i32
      %parallel_loop3A_228 = arith.muli %parallel_loop3A_227, %parallel_loop3A_218 : i32
      %parallel_loop3A_229 = arith.constant 64 : i32
      %parallel_loop3A_230 = arith.addi %parallel_loop3A_229, %parallel_loop3A_228 : i32
      %parallel_loop3A_231 = arith.constant 1 : i32
      %parallel_loop3A_232 = arith.addi %parallel_loop3A_230, %parallel_loop3A_231 : i32
      %parallel_loop3A_233 = arith.index_cast %parallel_loop3A_232 : i32 to index
      %parallel_loop3A_234 = arith.constant 0 : index
      %parallel_loop3A_235 = tpu.vector_load %arg7[%parallel_loop3A_233, %parallel_loop3A_234] {strides = array<i32>} : memref<128x16xf32, #tpu.memory_space<vmem>>, vector<1x16xf32>,
      %parallel_loop3A_236 = vector.shape_cast %parallel_loop3A_235 : vector<1x16xf32> to vector<16xf32>
      %parallel_loop3A_237 = arith.constant 0 : i32
      %parallel_loop3A_238 = arith.constant 64 : i32
      %parallel_loop3A_239 = arith.constant 1 : i32
      scf.for %parallel_loop3A_240 = %parallel_loop3A_237 to %parallel_loop3A_238 step %parallel_loop3A_239  : i32 {
        %parallel_loop3A_241 = arith.constant 16 : i32
        %parallel_loop3A_242 = arith.muli %parallel_loop3A_240, %parallel_loop3A_241 : i32
        %parallel_loop3A_243 = arith.constant 2 : i32
        %parallel_loop3A_244 = arith.muli %parallel_loop3A_243, %parallel_loop3A_218 : i32
        %parallel_loop3A_245 = arith.constant 0 : i32
        %parallel_loop3A_246 = arith.index_cast %parallel_loop3A_245 : i32 to index
        %parallel_loop3A_247 = arith.index_cast %parallel_loop3A_244 : i32 to index
        %parallel_loop3A_248 = arith.index_cast %parallel_loop3A_242 : i32 to index
        %parallel_loop3A_249 = tpu.vector_load %arg8[%parallel_loop3A_246, %parallel_loop3A_247, %parallel_loop3A_248] {strides = array<i32>} : memref<2x32x1024xf32, #tpu.memory_space<vmem>>, vector<1x1x16xf32>,
        %parallel_loop3A_250 = vector.shape_cast %parallel_loop3A_249 : vector<1x1x16xf32> to vector<16xf32>
        %parallel_loop3A_251 = arith.mulf %parallel_loop3A_226, %parallel_loop3A_250 : vector<16xf32>
        %parallel_loop3A_252 = arith.constant 2 : i32
        %parallel_loop3A_253 = arith.muli %parallel_loop3A_252, %parallel_loop3A_218 : i32
        %parallel_loop3A_254 = arith.constant 1 : i32
        %parallel_loop3A_255 = arith.addi %parallel_loop3A_253, %parallel_loop3A_254 : i32
        %parallel_loop3A_256 = arith.constant 0 : i32
        %parallel_loop3A_257 = arith.index_cast %parallel_loop3A_256 : i32 to index
        %parallel_loop3A_258 = arith.index_cast %parallel_loop3A_255 : i32 to index
        %parallel_loop3A_259 = arith.index_cast %parallel_loop3A_242 : i32 to index
        %parallel_loop3A_260 = tpu.vector_load %arg8[%parallel_loop3A_257, %parallel_loop3A_258, %parallel_loop3A_259] {strides = array<i32>} : memref<2x32x1024xf32, #tpu.memory_space<vmem>>, vector<1x1x16xf32>,
        %parallel_loop3A_261 = vector.shape_cast %parallel_loop3A_260 : vector<1x1x16xf32> to vector<16xf32>
        %parallel_loop3A_262 = arith.mulf %parallel_loop3A_236, %parallel_loop3A_261 : vector<16xf32>
        %parallel_loop3A_263 = arith.addf %parallel_loop3A_251, %parallel_loop3A_262 : vector<16xf32>
        %parallel_loop3A_264 = arith.constant 0 : i32
        %parallel_loop3A_265 = arith.index_cast %parallel_loop3A_264 : i32 to index
        %parallel_loop3A_266 = arith.index_cast %parallel_loop3A_218 : i32 to index
        %parallel_loop3A_267 = arith.index_cast %parallel_loop3A_242 : i32 to index
        %parallel_loop3A_268 = tpu.vector_load %arg9[%parallel_loop3A_265, %parallel_loop3A_266, %parallel_loop3A_267] {strides = array<i32>} : memref<2x16x1024xf32, #tpu.memory_space<vmem>>, vector<1x1x16xf32>,
        %parallel_loop3A_269 = vector.shape_cast %parallel_loop3A_268 : vector<1x1x16xf32> to vector<16xf32>
        %parallel_loop3A_270 = vector.shape_cast %parallel_loop3A_263 : vector<16xf32> to vector<1x1x16xf32>
        tpu.vector_store %arg9[%parallel_loop3A_265, %parallel_loop3A_266, %parallel_loop3A_267], %parallel_loop3A_270 {strides = array<i32>} : memref<2x16x1024xf32, #tpu.memory_space<vmem>>, vector<1x1x16xf32>,
      } {sc.loop_unroll_factor = 4 : i64, sc.parallel_access}
    } {sc.loop_unroll_factor = 1 : i64, sc.parallel_access}
    %add3A_136 = arith.constant 32 : i32
    %add3A_137 = arith.addi %mul3A_4, %add3A_136 : i32
    %dma_start3A_138 = arith.constant 0 : i32
    %dma_start3A_139 = arith.constant 0 : i32
    %dma_start3A_140 = arith.constant 0 : i32
    %dma_start3A_141 = tpu.memref_slice %arg9[%dma_start3A_138, %dma_start3A_139, %dma_start3A_140] : memref<2x16x1024xf32, #tpu.memory_space<vmem>> -> memref<1x16x1024xf32, #tpu.memory_space<vmem>>
    %dma_start3A_142 = tpu.memref_squeeze %dma_start3A_141 : memref<1x16x1024xf32, #tpu.memory_space<vmem>> -> memref<16x1024xf32, #tpu.memory_space<vmem>>
    %dma_start3A_143 = arith.constant 0 : i32
    %dma_start3A_144 = tpu.memref_slice %arg5[%add3A_137, %dma_start3A_143] : memref<2048x1024xf32, #tpu.memory_space<hbm>> -> memref<16x1024xf32, #tpu.memory_space<hbm>>
    %dma_start3A_145 = arith.constant 0 : i32
    %dma_start3A_146 = tpu.memref_slice %arg5[%add3A_137, %dma_start3A_145] : memref<2048x1024xf32, #tpu.memory_space<hbm>> -> memref<16x1024xf32, #tpu.memory_space<hbm>>
    %dma_start3A_147 = arith.constant 0 : i32
    %dma_start3A_148 = arith.constant 0 : i32
    %dma_start3A_149 = tpu.memref_slice %arg9[%dma_start3A_138, %dma_start3A_147, %dma_start3A_148] : memref<2x16x1024xf32, #tpu.memory_space<vmem>> -> memref<1x16x1024xf32, #tpu.memory_space<vmem>>
    %dma_start3A_150 = tpu.memref_squeeze %dma_start3A_149 : memref<1x16x1024xf32, #tpu.memory_space<vmem>> -> memref<16x1024xf32, #tpu.memory_space<vmem>>
    tpu.enqueue_dma source(%dma_start3A_150 : memref<16x1024xf32, #tpu.memory_space<vmem>>) target(%dma_start3A_146 : memref<16x1024xf32, #tpu.memory_space<hbm>>) target_semaphore(%arg12 : memref<!tpu.dma_semaphore, #tpu.memory_space<semaphore_mem>>)
    %dma_wait3A_151 = arith.constant 1 : i32
    %dma_wait3A_152 = arith.constant 0 : i32
    %dma_wait3A_153 = arith.constant 0 : i32
    %dma_wait3A_154 = tpu.memref_slice %arg8[%dma_wait3A_151, %dma_wait3A_152, %dma_wait3A_153] : memref<2x32x1024xf32, #tpu.memory_space<vmem>> -> memref<1x32x1024xf32, #tpu.memory_space<vmem>>
    %dma_wait3A_155 = tpu.memref_squeeze %dma_wait3A_154 : memref<1x32x1024xf32, #tpu.memory_space<vmem>> -> memref<32x1024xf32, #tpu.memory_space<vmem>>
    %dma_wait3A_156 = arith.constant 96 : i32
    %dma_wait3A_157 = tpu.memref_slice %arg6[%dma_wait3A_156] : memref<128xi32, #tpu.memory_space<vmem>> -> memref<32xi32, #tpu.memory_space<vmem>>
    %dma_wait3A_158 = arith.constant 0 : i32
    %dma_wait3A_159 = arith.constant 0 : i32
    %dma_wait3A_160 = tpu.memref_slice %arg2[%dma_wait3A_158, %dma_wait3A_159] : memref<12288x1024xf32, #tpu.memory_space<hbm>> -> memref<12288x1024xf32, #tpu.memory_space<hbm>>
    tpu.wait_indirect_dma semaphore(%arg11 : memref<!tpu.dma_semaphore, #tpu.memory_space<semaphore_mem>>) src(%dma_wait3A_160 : memref<12288x1024xf32, #tpu.memory_space<hbm>>) dst(%dma_wait3A_155 : memref<32x1024xf32, #tpu.memory_space<vmem>>)
    %dma_wait3A_161 = arith.constant 1 : i32
    %dma_wait3A_162 = arith.constant 0 : i32
    %dma_wait3A_163 = arith.constant 0 : i32
    %dma_wait3A_164 = tpu.memref_slice %arg9[%dma_wait3A_161, %dma_wait3A_162, %dma_wait3A_163] : memref<2x16x1024xf32, #tpu.memory_space<vmem>> -> memref<1x16x1024xf32, #tpu.memory_space<vmem>>
    %dma_wait3A_165 = tpu.memref_squeeze %dma_wait3A_164 : memref<1x16x1024xf32, #tpu.memory_space<vmem>> -> memref<16x1024xf32, #tpu.memory_space<vmem>>
    %dma_wait3A_166 = arith.constant 0 : i32
    %dma_wait3A_167 = tpu.memref_slice %arg5[%add3A_86, %dma_wait3A_166] : memref<2048x1024xf32, #tpu.memory_space<hbm>> -> memref<16x1024xf32, #tpu.memory_space<hbm>>
    %dma_wait3A_168 = arith.constant 0 : i32
    %dma_wait3A_169 = tpu.memref_slice %arg5[%add3A_86, %dma_wait3A_168] : memref<2048x1024xf32, #tpu.memory_space<hbm>> -> memref<16x1024xf32, #tpu.memory_space<hbm>>
    %dma_wait3A_170 = arith.constant 0 : i32
    %dma_wait3A_171 = arith.constant 0 : i32
    %dma_wait3A_172 = tpu.memref_slice %arg9[%dma_wait3A_161, %dma_wait3A_170, %dma_wait3A_171] : memref<2x16x1024xf32, #tpu.memory_space<vmem>> -> memref<1x16x1024xf32, #tpu.memory_space<vmem>>
    %dma_wait3A_173 = tpu.memref_squeeze %dma_wait3A_172 : memref<1x16x1024xf32, #tpu.memory_space<vmem>> -> memref<16x1024xf32, #tpu.memory_space<vmem>>
    tpu.wait_dma2 semaphore(%arg12 : memref<!tpu.dma_semaphore, #tpu.memory_space<semaphore_mem>>) src(%dma_wait3A_173 : memref<16x1024xf32, #tpu.memory_space<vmem>>) dst(%dma_wait3A_169 : memref<16x1024xf32, #tpu.memory_space<hbm>>)
    %parallel_loop3A_174 = arith.constant 0 : i32
    %parallel_loop3A_175 = arith.constant 16 : i32
    %parallel_loop3A_176 = arith.constant 1 : i32
    scf.for %parallel_loop3A_218 = %parallel_loop3A_174 to %parallel_loop3A_175 step %parallel_loop3A_176  : i32 {
      %parallel_loop3A_219 = arith.constant 2 : i32
      %parallel_loop3A_220 = arith.muli %parallel_loop3A_219, %parallel_loop3A_218 : i32
      %parallel_loop3A_221 = arith.constant 96 : i32
      %parallel_loop3A_222 = arith.addi %parallel_loop3A_221, %parallel_loop3A_220 : i32
      %parallel_loop3A_223 = arith.index_cast %parallel_loop3A_222 : i32 to index
      %parallel_loop3A_224 = arith.constant 0 : index
      %parallel_loop3A_225 = tpu.vector_load %arg7[%parallel_loop3A_223, %parallel_loop3A_224] {strides = array<i32>} : memref<128x16xf32, #tpu.memory_space<vmem>>, vector<1x16xf32>,
      %parallel_loop3A_226 = vector.shape_cast %parallel_loop3A_225 : vector<1x16xf32> to vector<16xf32>
      %parallel_loop3A_227 = arith.constant 2 : i32
      %parallel_loop3A_228 = arith.muli %parallel_loop3A_227, %parallel_loop3A_218 : i32
      %parallel_loop3A_229 = arith.constant 96 : i32
      %parallel_loop3A_230 = arith.addi %parallel_loop3A_229, %parallel_loop3A_228 : i32
      %parallel_loop3A_231 = arith.constant 1 : i32
      %parallel_loop3A_232 = arith.addi %parallel_loop3A_230, %parallel_loop3A_231 : i32
      %parallel_loop3A_233 = arith.index_cast %parallel_loop3A_232 : i32 to index
      %parallel_loop3A_234 = arith.constant 0 : index
      %parallel_loop3A_235 = tpu.vector_load %arg7[%parallel_loop3A_233, %parallel_loop3A_234] {strides = array<i32>} : memref<128x16xf32, #tpu.memory_space<vmem>>, vector<1x16xf32>,
      %parallel_loop3A_236 = vector.shape_cast %parallel_loop3A_235 : vector<1x16xf32> to vector<16xf32>
      %parallel_loop3A_237 = arith.constant 0 : i32
      %parallel_loop3A_238 = arith.constant 64 : i32
      %parallel_loop3A_239 = arith.constant 1 : i32
      scf.for %parallel_loop3A_240 = %parallel_loop3A_237 to %parallel_loop3A_238 step %parallel_loop3A_239  : i32 {
        %parallel_loop3A_241 = arith.constant 16 : i32
        %parallel_loop3A_242 = arith.muli %parallel_loop3A_240, %parallel_loop3A_241 : i32
        %parallel_loop3A_243 = arith.constant 2 : i32
        %parallel_loop3A_244 = arith.muli %parallel_loop3A_243, %parallel_loop3A_218 : i32
        %parallel_loop3A_245 = arith.constant 1 : i32
        %parallel_loop3A_246 = arith.index_cast %parallel_loop3A_245 : i32 to index
        %parallel_loop3A_247 = arith.index_cast %parallel_loop3A_244 : i32 to index
        %parallel_loop3A_248 = arith.index_cast %parallel_loop3A_242 : i32 to index
        %parallel_loop3A_249 = tpu.vector_load %arg8[%parallel_loop3A_246, %parallel_loop3A_247, %parallel_loop3A_248] {strides = array<i32>} : memref<2x32x1024xf32, #tpu.memory_space<vmem>>, vector<1x1x16xf32>,
        %parallel_loop3A_250 = vector.shape_cast %parallel_loop3A_249 : vector<1x1x16xf32> to vector<16xf32>
        %parallel_loop3A_251 = arith.mulf %parallel_loop3A_226, %parallel_loop3A_250 : vector<16xf32>
        %parallel_loop3A_252 = arith.constant 2 : i32
        %parallel_loop3A_253 = arith.muli %parallel_loop3A_252, %parallel_loop3A_218 : i32
        %parallel_loop3A_254 = arith.constant 1 : i32
        %parallel_loop3A_255 = arith.addi %parallel_loop3A_253, %parallel_loop3A_254 : i32
        %parallel_loop3A_256 = arith.constant 1 : i32
        %parallel_loop3A_257 = arith.index_cast %parallel_loop3A_256 : i32 to index
        %parallel_loop3A_258 = arith.index_cast %parallel_loop3A_255 : i32 to index
        %parallel_loop3A_259 = arith.index_cast %parallel_loop3A_242 : i32 to index
        %parallel_loop3A_260 = tpu.vector_load %arg8[%parallel_loop3A_257, %parallel_loop3A_258, %parallel_loop3A_259] {strides = array<i32>} : memref<2x32x1024xf32, #tpu.memory_space<vmem>>, vector<1x1x16xf32>,
        %parallel_loop3A_261 = vector.shape_cast %parallel_loop3A_260 : vector<1x1x16xf32> to vector<16xf32>
        %parallel_loop3A_262 = arith.mulf %parallel_loop3A_236, %parallel_loop3A_261 : vector<16xf32>
        %parallel_loop3A_263 = arith.addf %parallel_loop3A_251, %parallel_loop3A_262 : vector<16xf32>
        %parallel_loop3A_264 = arith.constant 1 : i32
        %parallel_loop3A_265 = arith.index_cast %parallel_loop3A_264 : i32 to index
        %parallel_loop3A_266 = arith.index_cast %parallel_loop3A_218 : i32 to index
        %parallel_loop3A_267 = arith.index_cast %parallel_loop3A_242 : i32 to index
        %parallel_loop3A_268 = tpu.vector_load %arg9[%parallel_loop3A_265, %parallel_loop3A_266, %parallel_loop3A_267] {strides = array<i32>} : memref<2x16x1024xf32, #tpu.memory_space<vmem>>, vector<1x1x16xf32>,
        %parallel_loop3A_269 = vector.shape_cast %parallel_loop3A_268 : vector<1x1x16xf32> to vector<16xf32>
        %parallel_loop3A_270 = vector.shape_cast %parallel_loop3A_263 : vector<16xf32> to vector<1x1x16xf32>
        tpu.vector_store %arg9[%parallel_loop3A_265, %parallel_loop3A_266, %parallel_loop3A_267], %parallel_loop3A_270 {strides = array<i32>} : memref<2x16x1024xf32, #tpu.memory_space<vmem>>, vector<1x1x16xf32>,
      } {sc.loop_unroll_factor = 4 : i64, sc.parallel_access}
    } {sc.loop_unroll_factor = 1 : i64, sc.parallel_access}
    %add3A_177 = arith.constant 48 : i32
    %add3A_178 = arith.addi %mul3A_4, %add3A_177 : i32
    %dma_start3A_179 = arith.constant 1 : i32
    %dma_start3A_180 = arith.constant 0 : i32
    %dma_start3A_181 = arith.constant 0 : i32
    %dma_start3A_182 = tpu.memref_slice %arg9[%dma_start3A_179, %dma_start3A_180, %dma_start3A_181] : memref<2x16x1024xf32, #tpu.memory_space<vmem>> -> memref<1x16x1024xf32, #tpu.memory_space<vmem>>
    %dma_start3A_183 = tpu.memref_squeeze %dma_start3A_182 : memref<1x16x1024xf32, #tpu.memory_space<vmem>> -> memref<16x1024xf32, #tpu.memory_space<vmem>>
    %dma_start3A_184 = arith.constant 0 : i32
    %dma_start3A_185 = tpu.memref_slice %arg5[%add3A_178, %dma_start3A_184] : memref<2048x1024xf32, #tpu.memory_space<hbm>> -> memref<16x1024xf32, #tpu.memory_space<hbm>>
    %dma_start3A_186 = arith.constant 0 : i32
    %dma_start3A_187 = tpu.memref_slice %arg5[%add3A_178, %dma_start3A_186] : memref<2048x1024xf32, #tpu.memory_space<hbm>> -> memref<16x1024xf32, #tpu.memory_space<hbm>>
    %dma_start3A_188 = arith.constant 0 : i32
    %dma_start3A_189 = arith.constant 0 : i32
    %dma_start3A_190 = tpu.memref_slice %arg9[%dma_start3A_179, %dma_start3A_188, %dma_start3A_189] : memref<2x16x1024xf32, #tpu.memory_space<vmem>> -> memref<1x16x1024xf32, #tpu.memory_space<vmem>>
    %dma_start3A_191 = tpu.memref_squeeze %dma_start3A_190 : memref<1x16x1024xf32, #tpu.memory_space<vmem>> -> memref<16x1024xf32, #tpu.memory_space<vmem>>
    tpu.enqueue_dma source(%dma_start3A_191 : memref<16x1024xf32, #tpu.memory_space<vmem>>) target(%dma_start3A_187 : memref<16x1024xf32, #tpu.memory_space<hbm>>) target_semaphore(%arg12 : memref<!tpu.dma_semaphore, #tpu.memory_space<semaphore_mem>>)
    %dma_wait3A_192 = arith.constant 0 : i32
    %dma_wait3A_193 = arith.constant 0 : i32
    %dma_wait3A_194 = arith.constant 0 : i32
    %dma_wait3A_195 = tpu.memref_slice %arg9[%dma_wait3A_192, %dma_wait3A_193, %dma_wait3A_194] : memref<2x16x1024xf32, #tpu.memory_space<vmem>> -> memref<1x16x1024xf32, #tpu.memory_space<vmem>>
    %dma_wait3A_196 = tpu.memref_squeeze %dma_wait3A_195 : memref<1x16x1024xf32, #tpu.memory_space<vmem>> -> memref<16x1024xf32, #tpu.memory_space<vmem>>
    %dma_wait3A_197 = arith.constant 0 : i32
    %dma_wait3A_198 = tpu.memref_slice %arg5[%add3A_137, %dma_wait3A_197] : memref<2048x1024xf32, #tpu.memory_space<hbm>> -> memref<16x1024xf32, #tpu.memory_space<hbm>>
    %dma_wait3A_199 = arith.constant 0 : i32
    %dma_wait3A_200 = tpu.memref_slice %arg5[%add3A_137, %dma_wait3A_199] : memref<2048x1024xf32, #tpu.memory_space<hbm>> -> memref<16x1024xf32, #tpu.memory_space<hbm>>
    %dma_wait3A_201 = arith.constant 0 : i32
    %dma_wait3A_202 = arith.constant 0 : i32
    %dma_wait3A_203 = tpu.memref_slice %arg9[%dma_wait3A_192, %dma_wait3A_201, %dma_wait3A_202] : memref<2x16x1024xf32, #tpu.memory_space<vmem>> -> memref<1x16x1024xf32, #tpu.memory_space<vmem>>
    %dma_wait3A_204 = tpu.memref_squeeze %dma_wait3A_203 : memref<1x16x1024xf32, #tpu.memory_space<vmem>> -> memref<16x1024xf32, #tpu.memory_space<vmem>>
    tpu.wait_dma2 semaphore(%arg12 : memref<!tpu.dma_semaphore, #tpu.memory_space<semaphore_mem>>) src(%dma_wait3A_204 : memref<16x1024xf32, #tpu.memory_space<vmem>>) dst(%dma_wait3A_200 : memref<16x1024xf32, #tpu.memory_space<hbm>>)
    %dma_wait3A_205 = arith.constant 1 : i32
    %dma_wait3A_206 = arith.constant 0 : i32
    %dma_wait3A_207 = arith.constant 0 : i32
    %dma_wait3A_208 = tpu.memref_slice %arg9[%dma_wait3A_205, %dma_wait3A_206, %dma_wait3A_207] : memref<2x16x1024xf32, #tpu.memory_space<vmem>> -> memref<1x16x1024xf32, #tpu.memory_space<vmem>>
    %dma_wait3A_209 = tpu.memref_squeeze %dma_wait3A_208 : memref<1x16x1024xf32, #tpu.memory_space<vmem>> -> memref<16x1024xf32, #tpu.memory_space<vmem>>
    %dma_wait3A_210 = arith.constant 0 : i32
    %dma_wait3A_211 = tpu.memref_slice %arg5[%add3A_178, %dma_wait3A_210] : memref<2048x1024xf32, #tpu.memory_space<hbm>> -> memref<16x1024xf32, #tpu.memory_space<hbm>>
    %dma_wait3A_212 = arith.constant 0 : i32
    %dma_wait3A_213 = tpu.memref_slice %arg5[%add3A_178, %dma_wait3A_212] : memref<2048x1024xf32, #tpu.memory_space<hbm>> -> memref<16x1024xf32, #tpu.memory_space<hbm>>
    %dma_wait3A_214 = arith.constant 0 : i32
    %dma_wait3A_215 = arith.constant 0 : i32
    %dma_wait3A_216 = tpu.memref_slice %arg9[%dma_wait3A_205, %dma_wait3A_214, %dma_wait3A_215] : memref<2x16x1024xf32, #tpu.memory_space<vmem>> -> memref<1x16x1024xf32, #tpu.memory_space<vmem>>
    %dma_wait3A_217 = tpu.memref_squeeze %dma_wait3A_216 : memref<1x16x1024xf32, #tpu.memory_space<vmem>> -> memref<16x1024xf32, #tpu.memory_space<vmem>>
    tpu.wait_dma2 semaphore(%arg12 : memref<!tpu.dma_semaphore, #tpu.memory_space<semaphore_mem>>) src(%dma_wait3A_217 : memref<16x1024xf32, #tpu.memory_space<vmem>>) dst(%dma_wait3A_213 : memref<16x1024xf32, #tpu.memory_space<hbm>>)
    return
  }
}

#map = affine_map<(d0, d1) -> (0, 0)>
#map1 = affine_map<(d0, d1) -> (0)>
module attributes {stable_mosaic.version = 14 : i64} {
  func.func @d(%arg0: i32, %arg1: i32, %arg2: memref<2048x1024xf32, #tpu.memory_space<hbm>>, %arg3: memref<2048xi32, #tpu.memory_space<hbm>>, %arg4: memref<2048xi32, #tpu.memory_space<hbm>>, %arg5: memref<12288x1024xf32, #tpu.memory_space<hbm>>, %arg6: memref<64xi32, #tpu.memory_space<vmem>>, %arg7: memref<64xi32, #tpu.memory_space<vmem>>, %arg8: memref<64x1024xf32, #tpu.memory_space<vmem>>, %arg9: memref<!tpu.dma_semaphore, #tpu.memory_space<semaphore_mem>>) attributes {dimension_semantics = [#tpu.dimension_semantics<core_parallel>, #tpu.dimension_semantics<subcore_parallel>], iteration_bounds = array<i64: 2, 16>, scalar_prefetch = 0 : i64, scratch_operands = 4 : i64, tpu.core_type = #tpu.core_type<sc_vector_subcore>, window_params = [{transform_indices = #map}, {transform_indices = #map1}, {transform_indices = #map1}, {transform_indices = #map}]} {
    %mul3A = arith.constant 2 : i32
    %mul3A_0 = arith.muli %arg1, %mul3A : i32
    %add3A = arith.addi %mul3A_0, %arg0 : i32
    %mul3A_1 = arith.constant 64 : i32
    %mul3A_2 = arith.muli %add3A, %mul3A_1 : i32
    %dma_start3A = tpu.memref_slice %arg3[%mul3A_2] : memref<2048xi32, #tpu.memory_space<hbm>> -> memref<64xi32, #tpu.memory_space<hbm>>
    %dma_start3A_3 = tpu.memref_slice %arg3[%mul3A_2] : memref<2048xi32, #tpu.memory_space<hbm>> -> memref<64xi32, #tpu.memory_space<hbm>>
    tpu.enqueue_dma source(%dma_start3A_3 : memref<64xi32, #tpu.memory_space<hbm>>) target(%arg6 : memref<64xi32, #tpu.memory_space<vmem>>) target_semaphore(%arg9 : memref<!tpu.dma_semaphore, #tpu.memory_space<semaphore_mem>>)
    %dma_start3A_4 = tpu.memref_slice %arg4[%mul3A_2] : memref<2048xi32, #tpu.memory_space<hbm>> -> memref<64xi32, #tpu.memory_space<hbm>>
    %dma_start3A_5 = tpu.memref_slice %arg4[%mul3A_2] : memref<2048xi32, #tpu.memory_space<hbm>> -> memref<64xi32, #tpu.memory_space<hbm>>
    tpu.enqueue_dma source(%dma_start3A_5 : memref<64xi32, #tpu.memory_space<hbm>>) target(%arg7 : memref<64xi32, #tpu.memory_space<vmem>>) target_semaphore(%arg9 : memref<!tpu.dma_semaphore, #tpu.memory_space<semaphore_mem>>)
    %dma_start3A_6 = arith.constant 0 : i32
    %dma_start3A_7 = tpu.memref_slice %arg2[%mul3A_2, %dma_start3A_6] : memref<2048x1024xf32, #tpu.memory_space<hbm>> -> memref<64x1024xf32, #tpu.memory_space<hbm>>
    %dma_start3A_8 = arith.constant 0 : i32
    %dma_start3A_9 = tpu.memref_slice %arg2[%mul3A_2, %dma_start3A_8] : memref<2048x1024xf32, #tpu.memory_space<hbm>> -> memref<64x1024xf32, #tpu.memory_space<hbm>>
    tpu.enqueue_dma source(%dma_start3A_9 : memref<64x1024xf32, #tpu.memory_space<hbm>>) target(%arg8 : memref<64x1024xf32, #tpu.memory_space<vmem>>) target_semaphore(%arg9 : memref<!tpu.dma_semaphore, #tpu.memory_space<semaphore_mem>>)
    %dma_wait3A = tpu.memref_slice %arg3[%mul3A_2] : memref<2048xi32, #tpu.memory_space<hbm>> -> memref<64xi32, #tpu.memory_space<hbm>>
    %dma_wait3A_10 = tpu.memref_slice %arg3[%mul3A_2] : memref<2048xi32, #tpu.memory_space<hbm>> -> memref<64xi32, #tpu.memory_space<hbm>>
    tpu.wait_dma2 semaphore(%arg9 : memref<!tpu.dma_semaphore, #tpu.memory_space<semaphore_mem>>) src(%dma_wait3A_10 : memref<64xi32, #tpu.memory_space<hbm>>) dst(%arg6 : memref<64xi32, #tpu.memory_space<vmem>>)
    %dma_wait3A_11 = tpu.memref_slice %arg4[%mul3A_2] : memref<2048xi32, #tpu.memory_space<hbm>> -> memref<64xi32, #tpu.memory_space<hbm>>
    %dma_wait3A_12 = tpu.memref_slice %arg4[%mul3A_2] : memref<2048xi32, #tpu.memory_space<hbm>> -> memref<64xi32, #tpu.memory_space<hbm>>
    tpu.wait_dma2 semaphore(%arg9 : memref<!tpu.dma_semaphore, #tpu.memory_space<semaphore_mem>>) src(%dma_wait3A_12 : memref<64xi32, #tpu.memory_space<hbm>>) dst(%arg7 : memref<64xi32, #tpu.memory_space<vmem>>)
    %dma_wait3A_13 = arith.constant 0 : i32
    %dma_wait3A_14 = tpu.memref_slice %arg2[%mul3A_2, %dma_wait3A_13] : memref<2048x1024xf32, #tpu.memory_space<hbm>> -> memref<64x1024xf32, #tpu.memory_space<hbm>>
    %dma_wait3A_15 = arith.constant 0 : i32
    %dma_wait3A_16 = tpu.memref_slice %arg2[%mul3A_2, %dma_wait3A_15] : memref<2048x1024xf32, #tpu.memory_space<hbm>> -> memref<64x1024xf32, #tpu.memory_space<hbm>>
    tpu.wait_dma2 semaphore(%arg9 : memref<!tpu.dma_semaphore, #tpu.memory_space<semaphore_mem>>) src(%dma_wait3A_16 : memref<64x1024xf32, #tpu.memory_space<hbm>>) dst(%arg8 : memref<64x1024xf32, #tpu.memory_space<vmem>>)
    %dma_start3A_17 = arith.constant 0 : i32
    %dma_start3A_18 = arith.constant 0 : i32
    %dma_start3A_19 = tpu.memref_slice %arg5[%dma_start3A_17, %dma_start3A_18] : memref<12288x1024xf32, #tpu.memory_space<hbm>> -> memref<12288x1024xf32, #tpu.memory_space<hbm>>
    tpu.enqueue_indirect_dma source(%arg8 : memref<64x1024xf32, #tpu.memory_space<vmem>>) target(%dma_start3A_19 : memref<12288x1024xf32, #tpu.memory_space<hbm>>) offsets(%arg6 : memref<64xi32, #tpu.memory_space<vmem>>) semaphore(%arg9 : memref<!tpu.dma_semaphore, #tpu.memory_space<semaphore_mem>>)
    %dma_start3A_20 = arith.constant 0 : i32
    %dma_start3A_21 = arith.constant 0 : i32
    %dma_start3A_22 = tpu.memref_slice %arg5[%dma_start3A_20, %dma_start3A_21] : memref<12288x1024xf32, #tpu.memory_space<hbm>> -> memref<12288x1024xf32, #tpu.memory_space<hbm>>
    tpu.enqueue_indirect_dma source(%arg8 : memref<64x1024xf32, #tpu.memory_space<vmem>>) target(%dma_start3A_22 : memref<12288x1024xf32, #tpu.memory_space<hbm>>) offsets(%arg7 : memref<64xi32, #tpu.memory_space<vmem>>) semaphore(%arg9 : memref<!tpu.dma_semaphore, #tpu.memory_space<semaphore_mem>>)
    %dma_wait3A_23 = arith.constant 0 : i32
    %dma_wait3A_24 = arith.constant 0 : i32
    %dma_wait3A_25 = tpu.memref_slice %arg5[%dma_wait3A_23, %dma_wait3A_24] : memref<12288x1024xf32, #tpu.memory_space<hbm>> -> memref<12288x1024xf32, #tpu.memory_space<hbm>>
    tpu.wait_indirect_dma semaphore(%arg9 : memref<!tpu.dma_semaphore, #tpu.memory_space<semaphore_mem>>) src(%arg8 : memref<64x1024xf32, #tpu.memory_space<vmem>>) dst(%dma_wait3A_25 : memref<12288x1024xf32, #tpu.memory_space<hbm>>)
    %dma_wait3A_26 = arith.constant 0 : i32
    %dma_wait3A_27 = arith.constant 0 : i32
    %dma_wait3A_28 = tpu.memref_slice %arg5[%dma_wait3A_26, %dma_wait3A_27] : memref<12288x1024xf32, #tpu.memory_space<hbm>> -> memref<12288x1024xf32, #tpu.memory_space<hbm>>
    tpu.wait_indirect_dma semaphore(%arg9 : memref<!tpu.dma_semaphore, #tpu.memory_space<semaphore_mem>>) src(%arg8 : memref<64x1024xf32, #tpu.memory_space<vmem>>) dst(%dma_wait3A_28 : memref<12288x1024xf32, #tpu.memory_space<hbm>>)
    return
  }
}

module attributes {stable_mosaic.version = 14 : i64} {
  func.func @_router_body(%arg0: memref<2048x1024xf32, #tpu.memory_space<vmem>>, %arg1: memref<64x1024xf32, #tpu.memory_space<vmem>>, %arg2: memref<8x2048xi32, #tpu.memory_space<vmem>>, %arg3: memref<8x2048xi32, #tpu.memory_space<vmem>>, %arg4: memref<8x2048xf32, #tpu.memory_space<vmem>>, %arg5: memref<8x2048xf32, #tpu.memory_space<vmem>>) attributes {dimension_semantics = [], scalar_prefetch = 0 : i64, scratch_operands = 0 : i64, tpu.core_type = #tpu.core_type<tc>} {
    %get3A = arith.constant 0 : index
    %get3A_0 = arith.constant 0 : index
    %get3A_1 = vector.load %arg1[%get3A, %get3A_0] : memref<64x1024xf32, #tpu.memory_space<vmem>>, vector<64x1024xf32>
    %get3A_2 = arith.constant 0 : index
    %get3A_3 = arith.constant 0 : index
    %get3A_4 = vector.load %arg0[%get3A_2, %get3A_3] : memref<2048x1024xf32, #tpu.memory_space<vmem>>, vector<2048x1024xf32>
    %dot_general3A = arith.constant dense<0.000000e+00> : vector<64x2048xf32>
    %dot_general3A_5 = tpu.matmul %get3A_1, %get3A_4, %dot_general3A {dimension_numbers = #tpu.dot_dimension_numbers<[1], [1], [0], [0], [0, 0, 1, 0], [], []>, transpose_lhs_hint = false} : vector<64x1024xf32>, vector<2048x1024xf32>, vector<64x2048xf32> -> vector<64x2048xf32>
    %argmax3A = tpu.reduce_index %dot_general3A_5 {axis = 0 : i32, kind = #tpu.reduction_kind<arg_max>} : vector<64x2048xf32> -> vector<2048xi32>
    %reduce_max3A = arith.constant dense<0xFF800000> : vector<2048xf32>
    %reduce_max3A_6 = vector.multi_reduction <maximumf>, %dot_general3A_5, %reduce_max3A [0] : vector<64x2048xf32> to vector<2048xf32>
    %iota3A = tpu.iota {dimensions = array<i32: 0>} : vector<64x2048xi32>
    %broadcast_in_dim3A = vector.shape_cast %argmax3A : vector<2048xi32> to vector<1x2048xi32>
    %eq3A = vector.broadcast %broadcast_in_dim3A : vector<1x2048xi32> to vector<64x2048xi32>
    %eq3A_7 = arith.cmpi eq, %iota3A, %eq3A : vector<64x2048xi32>
    %jit3A = arith.constant 0xFF800000 : f32
    %broadcast_in_dim3A_8 = vector.broadcast %jit3A : f32 to vector<64x2048xf32>
    %select_n3A = arith.select %eq3A_7, %broadcast_in_dim3A_8, %dot_general3A_5 : vector<64x2048xi1>, vector<64x2048xf32>
    %argmax3A_9 = tpu.reduce_index %select_n3A {axis = 0 : i32, kind = #tpu.reduction_kind<arg_max>} : vector<64x2048xf32> -> vector<2048xi32>
    %reduce_max3A_10 = arith.constant dense<0xFF800000> : vector<2048xf32>
    %reduce_max3A_11 = vector.multi_reduction <maximumf>, %select_n3A, %reduce_max3A_10 [0] : vector<64x2048xf32> to vector<2048xf32>
    %sub3A = arith.subf %reduce_max3A_6, %reduce_max3A_11 : vector<2048xf32>
    %logistic3A = arith.negf %sub3A : vector<2048xf32>
    %logistic3A_12 = math.exp %logistic3A : vector<2048xf32>
    %logistic3A_13 = arith.constant 1.000000e+00 : f32
    %logistic3A_14 = vector.broadcast %logistic3A_13 : f32 to vector<2048xf32>
    %logistic3A_15 = arith.addf %logistic3A_14, %logistic3A_12 : vector<2048xf32>
    %logistic3A_16 = arith.divf %logistic3A_14, %logistic3A_15 : vector<2048xf32>
    %broadcast_in_dim3A_17 = vector.shape_cast %argmax3A : vector<2048xi32> to vector<1x2048xi32>
    %broadcast_in_dim3A_18 = vector.shape_cast %broadcast_in_dim3A_17 : vector<1x2048xi32> to vector<1x2048xi32>
    %broadcast_in_dim3A_19 = vector.broadcast %broadcast_in_dim3A_18 : vector<1x2048xi32> to vector<8x2048xi32>
    %swap3A = arith.constant 0 : index
    %swap3A_20 = arith.constant 0 : index
    %swap3A_21 = vector.load %arg2[%swap3A, %swap3A_20] : memref<8x2048xi32, #tpu.memory_space<vmem>>, vector<8x2048xi32>
    tpu.vector_store %arg2[%swap3A, %swap3A_20], %broadcast_in_dim3A_19 {strides = array<i32>} : memref<8x2048xi32, #tpu.memory_space<vmem>>, vector<8x2048xi32>,
    %broadcast_in_dim3A_22 = vector.shape_cast %argmax3A_9 : vector<2048xi32> to vector<1x2048xi32>
    %broadcast_in_dim3A_23 = vector.shape_cast %broadcast_in_dim3A_22 : vector<1x2048xi32> to vector<1x2048xi32>
    %broadcast_in_dim3A_24 = vector.broadcast %broadcast_in_dim3A_23 : vector<1x2048xi32> to vector<8x2048xi32>
    %swap3A_25 = arith.constant 0 : index
    %swap3A_26 = arith.constant 0 : index
    %swap3A_27 = vector.load %arg3[%swap3A_25, %swap3A_26] : memref<8x2048xi32, #tpu.memory_space<vmem>>, vector<8x2048xi32>
    tpu.vector_store %arg3[%swap3A_25, %swap3A_26], %broadcast_in_dim3A_24 {strides = array<i32>} : memref<8x2048xi32, #tpu.memory_space<vmem>>, vector<8x2048xi32>,
    %broadcast_in_dim3A_28 = vector.shape_cast %logistic3A_16 : vector<2048xf32> to vector<1x2048xf32>
    %broadcast_in_dim3A_29 = vector.shape_cast %broadcast_in_dim3A_28 : vector<1x2048xf32> to vector<1x2048xf32>
    %broadcast_in_dim3A_30 = vector.broadcast %broadcast_in_dim3A_29 : vector<1x2048xf32> to vector<8x2048xf32>
    %swap3A_31 = arith.constant 0 : index
    %swap3A_32 = arith.constant 0 : index
    %swap3A_33 = vector.load %arg4[%swap3A_31, %swap3A_32] : memref<8x2048xf32, #tpu.memory_space<vmem>>, vector<8x2048xf32>
    tpu.vector_store %arg4[%swap3A_31, %swap3A_32], %broadcast_in_dim3A_30 {strides = array<i32>} : memref<8x2048xf32, #tpu.memory_space<vmem>>, vector<8x2048xf32>,
    %sub3A_34 = arith.constant 1.000000e+00 : f32
    %sub3A_35 = vector.broadcast %sub3A_34 : f32 to vector<2048xf32>
    %sub3A_36 = arith.subf %sub3A_35, %logistic3A_16 : vector<2048xf32>
    %broadcast_in_dim3A_37 = vector.shape_cast %sub3A_36 : vector<2048xf32> to vector<1x2048xf32>
    %broadcast_in_dim3A_38 = vector.shape_cast %broadcast_in_dim3A_37 : vector<1x2048xf32> to vector<1x2048xf32>
    %broadcast_in_dim3A_39 = vector.broadcast %broadcast_in_dim3A_38 : vector<1x2048xf32> to vector<8x2048xf32>
    %swap3A_40 = arith.constant 0 : index
    %swap3A_41 = arith.constant 0 : index
    %swap3A_42 = vector.load %arg5[%swap3A_40, %swap3A_41] : memref<8x2048xf32, #tpu.memory_space<vmem>>, vector<8x2048xf32>
    tpu.vector_store %arg5[%swap3A_40, %swap3A_41], %broadcast_in_dim3A_39 {strides = array<i32>} : memref<8x2048xf32, #tpu.memory_space<vmem>>, vector<8x2048xf32>,
    return
  }
}

module attributes {stable_mosaic.version = 14 : i64} {
  func.func @_ffn_body(%arg0: i32, %arg1: memref<96xi32, #tpu.memory_space<smem>>, %arg2: memref<1xi32, #tpu.memory_space<smem>>, %arg3: memref<128x1024xf32, #tpu.memory_space<vmem>>, %arg4: memref<1x1024x1024xf32, #tpu.memory_space<vmem>>, %arg5: memref<1x1024x1024xf32, #tpu.memory_space<vmem>>, %arg6: memref<1x1024x1024xf32, #tpu.memory_space<vmem>>, %arg7: memref<128x1024xf32, #tpu.memory_space<vmem>>) attributes {dimension_semantics = [#tpu.dimension_semantics<arbitrary>], iteration_bounds = array<i64: 96>, scalar_prefetch = 2 : i64, scratch_operands = 0 : i64, tpu.core_type = #tpu.core_type<tc>, window_params = [{transform_indices = @transform_0, window_bounds = array<i64: 128, 1024>}, {transform_indices = @transform_1, window_bounds = array<i64: 1, 1024, 1024>}, {transform_indices = @transform_2, window_bounds = array<i64: 1, 1024, 1024>}, {transform_indices = @transform_3, window_bounds = array<i64: 1, 1024, 1024>}, {transform_indices = @transform_4, window_bounds = array<i64: 128, 1024>}]} {
    %get3A = arith.constant 0 : index
    %get3A_0 = memref.load %arg2[%get3A] : memref<1xi32, #tpu.memory_space<smem>>
    %lt3A = arith.cmpi slt, %arg0, %get3A_0 : i32
    %convert_element_type3A = arith.extui %lt3A : i1 to i32
    %cond3A = arith.constant 0 : i32
    %cond3A_1 = arith.cmpi ne, %convert_element_type3A, %cond3A : i32
    scf.if %cond3A_1 {
      %get3A_2 = arith.constant 0 : index
      %get3A_3 = arith.constant 0 : index
      %get3A_4 = vector.load %arg3[%get3A_2, %get3A_3] : memref<128x1024xf32, #tpu.memory_space<vmem>>, vector<128x1024xf32>
      %get3A_5 = arith.constant 0 : index
      %get3A_6 = arith.constant 0 : index
      %get3A_7 = arith.constant 0 : index
      %get3A_8 = vector.load %arg4[%get3A_5, %get3A_6, %get3A_7] : memref<1x1024x1024xf32, #tpu.memory_space<vmem>>, vector<1x1024x1024xf32>
      %get3A_9 = vector.shape_cast %get3A_8 : vector<1x1024x1024xf32> to vector<1024x1024xf32>
      %dot_general3A = arith.constant dense<0.000000e+00> : vector<128x1024xf32>
      %dot_general3A_10 = tpu.matmul %get3A_4, %get3A_9, %dot_general3A {dimension_numbers = #tpu.dot_dimension_numbers<[1], [0], [0], [1], [0, 0, 1, 1], [], []>, transpose_lhs_hint = false} : vector<128x1024xf32>, vector<1024x1024xf32>, vector<128x1024xf32> -> vector<128x1024xf32>
      %get3A_11 = arith.constant 0 : index
      %get3A_12 = arith.constant 0 : index
      %get3A_13 = arith.constant 0 : index
      %get3A_14 = vector.load %arg5[%get3A_11, %get3A_12, %get3A_13] : memref<1x1024x1024xf32, #tpu.memory_space<vmem>>, vector<1x1024x1024xf32>
      %get3A_15 = vector.shape_cast %get3A_14 : vector<1x1024x1024xf32> to vector<1024x1024xf32>
      %dot_general3A_16 = arith.constant dense<0.000000e+00> : vector<128x1024xf32>
      %dot_general3A_17 = tpu.matmul %get3A_4, %get3A_15, %dot_general3A_16 {dimension_numbers = #tpu.dot_dimension_numbers<[1], [0], [0], [1], [0, 0, 1, 1], [], []>, transpose_lhs_hint = false} : vector<128x1024xf32>, vector<1024x1024xf32>, vector<128x1024xf32> -> vector<128x1024xf32>
      %logistic3A = arith.negf %dot_general3A_10 : vector<128x1024xf32>
      %logistic3A_18 = math.exp %logistic3A : vector<128x1024xf32>
      %logistic3A_19 = arith.constant 1.000000e+00 : f32
      %logistic3A_20 = vector.broadcast %logistic3A_19 : f32 to vector<128x1024xf32>
      %logistic3A_21 = arith.addf %logistic3A_20, %logistic3A_18 : vector<128x1024xf32>
      %logistic3A_22 = arith.divf %logistic3A_20, %logistic3A_21 : vector<128x1024xf32>
      %mul3A = arith.mulf %dot_general3A_10, %logistic3A_22 : vector<128x1024xf32>
      %mul3A_23 = arith.mulf %mul3A, %dot_general3A_17 : vector<128x1024xf32>
      %get3A_24 = arith.constant 0 : index
      %get3A_25 = arith.constant 0 : index
      %get3A_26 = arith.constant 0 : index
      %get3A_27 = vector.load %arg6[%get3A_24, %get3A_25, %get3A_26] : memref<1x1024x1024xf32, #tpu.memory_space<vmem>>, vector<1x1024x1024xf32>
      %get3A_28 = vector.shape_cast %get3A_27 : vector<1x1024x1024xf32> to vector<1024x1024xf32>
      %dot_general3A_29 = arith.constant dense<0.000000e+00> : vector<128x1024xf32>
      %dot_general3A_30 = tpu.matmul %mul3A_23, %get3A_28, %dot_general3A_29 {dimension_numbers = #tpu.dot_dimension_numbers<[1], [0], [0], [1], [0, 0, 1, 1], [], []>, transpose_lhs_hint = false} : vector<128x1024xf32>, vector<1024x1024xf32>, vector<128x1024xf32> -> vector<128x1024xf32>
      %swap3A = arith.constant 0 : index
      %swap3A_31 = arith.constant 0 : index
      %swap3A_32 = vector.load %arg7[%swap3A, %swap3A_31] : memref<128x1024xf32, #tpu.memory_space<vmem>>, vector<128x1024xf32>
      tpu.vector_store %arg7[%swap3A, %swap3A_31], %dot_general3A_30 {strides = array<i32>} : memref<128x1024xf32, #tpu.memory_space<vmem>>, vector<128x1024xf32>,
    } else {
    }
    return
  }
  func.func @transform_0(%arg0: i32, %arg1: memref<96xi32, #tpu.memory_space<smem>>, %arg2: memref<1xi32, #tpu.memory_space<smem>>) -> (i32, i32) {
    %get3A = arith.constant 0 : index
    %get3A_0 = memref.load %arg2[%get3A] : memref<1xi32, #tpu.memory_space<smem>>
    %sub3A = arith.constant 1 : i32
    %sub3A_1 = arith.subi %get3A_0, %sub3A : i32
    %min3A = arith.minsi %arg0, %sub3A_1 : i32
    %c0_i32 = arith.constant 0 : i32
    %c0_i32_2 = arith.constant 0 : i32
    return %min3A, %c0_i32 : i32, i32
  }
  func.func @transform_1(%arg0: i32, %arg1: memref<96xi32, #tpu.memory_space<smem>>, %arg2: memref<1xi32, #tpu.memory_space<smem>>) -> (i32, i32, i32) {
    %get3A = arith.index_cast %arg0 : i32 to index
    %get3A_0 = memref.load %arg1[%get3A] : memref<96xi32, #tpu.memory_space<smem>>
    %c0_i32 = arith.constant 0 : i32
    %c0_i32_1 = arith.constant 0 : i32
    %c0_i32_2 = arith.constant 0 : i32
    return %get3A_0, %c0_i32, %c0_i32_1 : i32, i32, i32
  }
  func.func @transform_2(%arg0: i32, %arg1: memref<96xi32, #tpu.memory_space<smem>>, %arg2: memref<1xi32, #tpu.memory_space<smem>>) -> (i32, i32, i32) {
    %get3A = arith.index_cast %arg0 : i32 to index
    %get3A_0 = memref.load %arg1[%get3A] : memref<96xi32, #tpu.memory_space<smem>>
    %c0_i32 = arith.constant 0 : i32
    %c0_i32_1 = arith.constant 0 : i32
    %c0_i32_2 = arith.constant 0 : i32
    return %get3A_0, %c0_i32, %c0_i32_1 : i32, i32, i32
  }
  func.func @transform_3(%arg0: i32, %arg1: memref<96xi32, #tpu.memory_space<smem>>, %arg2: memref<1xi32, #tpu.memory_space<smem>>) -> (i32, i32, i32) {
    %get3A = arith.index_cast %arg0 : i32 to index
    %get3A_0 = memref.load %arg1[%get3A] : memref<96xi32, #tpu.memory_space<smem>>
    %c0_i32 = arith.constant 0 : i32
    %c0_i32_1 = arith.constant 0 : i32
    %c0_i32_2 = arith.constant 0 : i32
    return %get3A_0, %c0_i32, %c0_i32_1 : i32, i32, i32
  }
  func.func @transform_4(%arg0: i32, %arg1: memref<96xi32, #tpu.memory_space<smem>>, %arg2: memref<1xi32, #tpu.memory_space<smem>>) -> (i32, i32) {
    %get3A = arith.constant 0 : index
    %get3A_0 = memref.load %arg2[%get3A] : memref<1xi32, #tpu.memory_space<smem>>
    %sub3A = arith.constant 1 : i32
    %sub3A_1 = arith.subi %get3A_0, %sub3A : i32
    %min3A = arith.minsi %arg0, %sub3A_1 : i32
    %c0_i32 = arith.constant 0 : i32
    %c0_i32_2 = arith.constant 0 : i32
    return %min3A, %c0_i32 : i32, i32
  }
}

</mosaic_0001>

<sc_bundles>
// kernel: kernel.6.cloned.1.call-start
scs
__scs_entry_jumppad:
0x0: {  	(pc) =	sbr.rel $0x88, $3  }
0x1: {  	(tag) =	ssettag $0x0;
	lr =	simm.s32 $0x1  }
0x2: {  	[smem:$0x3F9C] =	sst lr;
	_ =	strace $0xD0000000  }
0x3: {  	_ = 	snop  }
0x4: {  	_ = 	snop  }
0x5: {  	_ = 	snop  }
0x6: {  	_ = 	snop  }
0x7: {  	_ = 	snop  }
__scs_overlays_trampoline_lowered:
0x8: {  	[smem:$0x3FAB] =	sst s0  }
0x9: {  	[smem:$0x3FAC] =	sst s1  }
0xa: {  	[smem:$0x3FAD] =	sst s2  }
0xb: {  	[smem:$0x3FAE] =	sst s3  }
0xc: {  	[smem:$0x3FAF] =	sst s4  }
0xd: {  	[smem:$0x3FB0] =	sst s5  }
0xe: {  	[smem:$0x3FB1] =	sst s6  }
0xf: {  	[smem:$0x3FB2] =	sst s7  }
0x10: {  	[smem:$0x3FB3] =	sst s8  }
0x11: {  	[smem:$0x3FB4] =	sst s9;
	s0 =	simm.s32 @!p0 $0x0  }
0x12: {  	s1 =	sld [smem:$0x3F9A];
	s0 =	simm.s32 @p0 $0x1  }
0x13: {  	[smem:$0x3FB5] =	sst s0;
	s0 =	simm.s32 @!p1 $0x0  }
0x14: {  	s2 =	sld [smem:$0x3F99];
	s0 =	simm.s32 @p1 $0x1  }
0x15: {  	[smem:$0x3FB6] =	sst s0;
	s0 =	simm.s32 @!p2 $0x0  }
0x16: {  	s3 =	sld [smem:$0x3FDB];
	s0 =	simm.s32 @p2 $0x1  }
0x17: {  	s4 =	simm.s32 $0x1BF5;
	[smem:$0x3FB8] =	sst s0  }
0x18: {  	s0 =	sld [smem:$0x3F9B];
	_ =	swait.ge [sflag:s4], $0x0  }
0x19: {  	s7 =	sld [smem:$0x3F9C]  }
0x1a: {  	s8 =	sadd.s32 $0xFFFFE003, lr  }
0x1b: {  	s9 =	sadd.s32 $0xFFFFFEF7, lr;
	s5 =	simm.s32 $0xFFFFFFFF;
	p2 =	slt.u32 s8, $0xFFFFF086  }
0x1c: {  	p1 =	slt.u32 s9, $0xF7A;
	s5 =	simm.s32 @!p2 $0x0  }
0x1d: {  	s5 =	simm.s32 @p1 $0x1;
	p0 =	seq.s32 s7, s2  }
0x1e: {  	s7 =	smul.u32 @!p0 $0xF7A, s2;
	p2 =	seq.s32 @!p0 s5, $0x0  }
0x1f: {  	s9 =	smul.u32 $0xF7A, s1;
	s8 =	simm.s32 @!p0 $0x1BF5;
	p2 =	por !p2, p0  }
0x20: {  	[sflag:s8] =	ssyncset.s32 @!p0 $0xFFFFF086;
	s6 =	sadd.s32 @!p0 s3, s7;
	s7 =	simm.s32 @!p0 $0x108  }
0x21: {  	s3 =	sadd.s32 s3, s9;
	s6 =	sadd.s32 @!p0 $0x88, s6;
	s7 =	simm.s32 @p2 $0x1082  }
0x22: {  	[simem:s7], [sflag:s8] =	dma.local @!p0 [hbm:s6], $0xF7A  }
0x23: {  	s9 =	sor.u32 $0xD0000000, s2;
	s6 =	simm.s32 $0x108;
	_ =	swait.ge @!p0 [sflag:s8], $0x0  }
0x24: {  	s3 =	sadd.s32 $0x88, s3;
	s6 =	simm.s32 @!p1 $0x1082;
	[sflag:s4] =	ssyncset.s32 $0xFFFFF086  }
0x25: {  	[simem:s6], [sflag:s4] =	dma.local [hbm:s3], $0xF7A  }
0x26: {  	[smem:$0x3F9C] =	sst s1;
	(tag) =	ssettag s2;
	_ =	strace s9  }
0x27: {  	s1 =	sld [smem:$0x3FAC]  }
0x28: {  	s2 =	sld [smem:$0x3FAD]  }
0x29: {  	s4 =	sld [smem:$0x3FAF]  }
0x2a: {  	p0 =	seq.s32 s5, $0x0;
	s5 =	sld [smem:$0x3FB0]  }
0x2b: {  	s6 =	sld [smem:$0x3FB1]  }
0x2c: {  	s7 =	sld [smem:$0x3FB2]  }
0x2d: {  	s3 =	simm.s32 $0x108;
	s8 =	sld [smem:$0x3FB3]  }
0x2e: {  	s3 =	simm.s32 @!p0 $0x1082;
	s9 =	sld [smem:$0x3FB4]  }
0x2f: {  	lr =	sadd.s32 s0, s3;
	s0 =	sld [smem:$0x3FAB]  }
0x30: {  	s3 =	sld [smem:$0x3FAE]  }
0x31: {  	[smem:$0x3FB7] =	sst s10  }
0x32: {  	s10 =	sld [smem:$0x3FB5];
	_ =	sdelay $0x3  }
0x33: {  	p0 =	seq.s32 s10, $0x1;
	s10 =	sld [smem:$0x3FB7];
	_ =	sdelay $0x3  }
0x34: {  	[smem:$0x3FB7] =	sst s10  }
0x35: {  	s10 =	sld [smem:$0x3FB6];
	_ =	sdelay $0x3  }
0x36: {  	p1 =	seq.s32 s10, $0x1;
	s10 =	sld [smem:$0x3FB7];
	_ =	sdelay $0x3  }
0x37: {  	[smem:$0x3FB7] =	sst s10  }
0x38: {  	s10 =	sld [smem:$0x3FB8]  }
0x39: {  	_ = 	snop;
	(pc) =	sbr.ind lr, $3  }
0x3a: {  	_ = 	snop  }
0x3b: {  	_ = 	snop  }
0x3c: {  	p2 =	seq.s32 s10, $0x1;
	s10 =	sld [smem:$0x3FB7]  }
0x3d: {  	_ =	shalt  }
0x3e: {  	_ =	shalt  }
0x3f: {  	_ =	shalt  }
0x40: {  	_ =	shalt  }
0x41: {  	_ =	shalt  }
0x42: {  	_ =	shalt  }
0x43: {  	_ =	shalt  }
0x44: {  	_ =	shalt  }
0x45: {  	_ =	shalt  }
0x46: {  	_ =	shalt  }
0x47: {  	_ =	shalt  }
0x48: {  	_ =	shalt  }
0x49: {  	_ =	shalt  }
0x4a: {  	_ =	shalt  }
0x4b: {  	_ =	shalt  }
0x4c: {  	_ =	shalt  }
0x4d: {  	_ =	shalt  }
0x4e: {  	_ =	shalt  }
0x4f: {  	_ =	shalt  }
0x50: {  	_ =	shalt  }
0x51: {  	_ =	shalt  }
0x52: {  	_ =	shalt  }
0x53: {  	_ =	shalt  }
0x54: {  	_ =	shalt  }
0x55: {  	_ =	shalt  }
0x56: {  	_ =	shalt  }
0x57: {  	_ =	shalt  }
0x58: {  	_ =	shalt  }
0x59: {  	_ =	shalt  }
0x5a: {  	_ =	shalt  }
0x5b: {  	_ =	shalt  }
0x5c: {  	_ =	shalt  }
0x5d: {  	_ =	shalt  }
0x5e: {  	_ =	shalt  }
0x5f: {  	_ =	shalt  }
0x60: {  	_ =	shalt  }
0x61: {  	_ =	shalt  }
0x62: {  	_ =	shalt  }
0x63: {  	_ =	shalt  }
0x64: {  	_ =	shalt  }
0x65: {  	_ =	shalt  }
0x66: {  	_ =	shalt  }
0x67: {  	_ =	shalt  }
0x68: {  	_ =	shalt  }
0x69: {  	_ =	shalt  }
0x6a: {  	_ =	shalt  }
0x6b: {  	_ =	shalt  }
0x6c: {  	_ =	shalt  }
0x6d: {  	_ =	shalt  }
0x6e: {  	_ =	shalt  }
0x6f: {  	_ =	shalt  }
0x70: {  	_ =	shalt  }
0x71: {  	_ =	shalt  }
0x72: {  	_ =	shalt  }
0x73: {  	_ =	shalt  }
0x74: {  	_ =	shalt  }
0x75: {  	_ =	shalt  }
0x76: {  	_ =	shalt  }
0x77: {  	_ =	shalt  }
0x78: {  	_ =	shalt  }
0x79: {  	_ =	shalt  }
0x7a: {  	_ =	shalt  }
0x7b: {  	_ =	shalt  }
0x7c: {  	_ =	shalt  }
0x7d: {  	_ =	shalt  }
0x7e: {  	_ =	shalt  }
0x7f: {  	_ =	shalt  }
0x80: {  	_ =	shalt  }
0x81: {  	_ =	shalt  }
0x82: {  	_ =	shalt  }
0x83: {  	_ =	shalt  }
0x84: {  	_ =	shalt  }
0x85: {  	_ =	shalt  }
0x86: {  	_ =	shalt  }
0x87: {  	_ =	shalt  }
.Lfunc_end0:
.L_simem_size_0:
called_computation_lowered:
.L_overlay_start_0:
0x88: {  	s2 =	sld [smem:$0x3FD9]  }
0x89: {  	s3 =	sld [smem:$0x3FFE];
	_ =	sdelay $0x1  }
0x8a: {  	s1 =	srdreg.scid  }
0x8b: {  	s0 =	sand.u32 $0x1, s1  }
0x8c: {  	s17 =	sshll.u32 s0, $0xA;
	s2 =	sadd.s32 s3, s2  }
0x8d: {  	s2 =	sadd.s32 s2, s17  }
0x8e: {  	[smem:$0x3FC3] =	sst s2  }
0x8f: {  	_ = 	snop  }
0x90: {  	s2 =	sld [smem:$0x3FC9];
	(tm) =	ssettm $0x1  }
0x91: {  	s18 =	sld [smem:$0x3FFB];
	_ =	sdelay $0x3  }
0x92: {  	_ =	strace s18  }
0x93: {  	s3 =	sld [smem:$0x3FFC];
	_ =	sdelay $0x3  }
0x94: {  	_ =	strace s3  }
0x95: {  	s3 =	sld [smem:$0x3FFD];
	_ =	sdelay $0x3  }
0x96: {  	_ =	strace s3  }
0x97: {  	_ =	strace $0x8FFFFFFF  }
0x98: {  	s19 =	sld [smem:$0x3FDB];
	_ =	sdelay $0x1  }
0x99: {  	s4 =	simm.s32 $_scs_section_size  }
0x9a: {  	s5 =	simm.s32 $_size__tile_overlayer_lowered;
	s6 =	simm.s32 $_tile_overlayer_lowered  }
0x9b: {  	s22 =	simm.s32 $0x1BFF;
	s21 =	sshll.u32 s6, $0x1;
	s3 =	sadd.s32 s4, s19  }
0x9c: {  	s7 =	simm.s32 $0x0;
	s20 =	sshll.u32 s5, $0x1;
	s5 =	sadd.s32 s21, s3  }
0x9d: {  	[timem:s7], [sflag:s22] =	dma.local [hbm:s5], s20  }
0x9e: {  	_ =	swait.ge [sflag:s22], s20  }
0x9f: {  	s4 =	ssub.s32 $0x0, s20;
	[sflag:s22] =	ssyncset.done $0x0  }
0xa0: {  	[sflag:s22] =	ssyncadd.s32 s4;
	_ =	sdelay $0x1  }
0xa1: {  	s23 =	simm.s32 $0x1B8B  }
0xa2: {  	_ =	swait.ge [sflag:s23], $0x1  }
0xa3: {  	[sflag:s23] =	ssyncset.done $0x0  }
0xa4: {  	s25 =	simm.s32 $0x1B8E;
	s24 =	sld [smem:$0x3FFE];
	[sflag:s23] =	ssyncadd.s32 $0xFFFFFFFF  }
0xa5: {  	s26 =	simm.s32 $execute0_lowered;
	[smem:$0x3FD2] =	sst s25  }
0xa6: {  	s5 =	sshll.u32 s26, $0x1;
	_ =	strace $0x80000046;
	[dreg:$0x1] =	wrdreg $0xFFFFFFFF  }
0xa7: {  	s28 =	simm.s32 $_size_execute0_lowered;
	s3 =	sadd.s32 s3, s5;
	[dreg:$0x0] =	wrdreg $0x0  }
0xa8: {  	s5 =	sshll.u32 s28, $0x1;
	[dreg:$0x2] =	wrdreg s3  }
0xa9: {  	[dreg:$0x3] =	wrdreg s5  }
0xaa: {  	[dreg:$0x4] =	wrdreg $0xC0  }
0xab: {  	_ =	task [dreg:s7], $0x5FFFF  }
0xac: {  	[dreg:$0x1] =	wrdreg $0xFFFFFFFF  }
0xad: {  	[dreg:$0x0] =	wrdreg $0x60  }
0xae: {  	[dreg:$0x2] =	wrdreg s2  }
0xaf: {  	[dreg:$0x3] =	wrdreg s24  }
0xb0: {  	[dreg:$0x4] =	wrdreg $0x9  }
0xb1: {  	_ =	task.clear_ibuf [dreg:s7], $0x5FFFF;
	_ =	strace $0x90000046  }
0xb2: {  	s29 =	simm.s32 $0x9;
	_ =	strace $0x80000048  }
0xb3: {  	_ =	swait.ge [sflag:s29], $0x1  }
0xb4: {  	[sflag:s29] =	ssyncadd.s32 $0xFFFFFFFF  }
0xb5: {  	_ =	strace $0x90000048  }
0xb6: {  	_ =	sfence  }
0xb7: {  	s30 =	sld [smem:$0x0];
	_ =	sdelay $0x2  }
0xb8: {  	s31 =	sshll.u32 s1, $0xD;
	s1 =	sshrl.u32 s1, $0x2  }
0xb9: {  	s3 =	sand.u32 $0x4000, s31;
	s1 =	sadd.s32 s1, s30  }
0xba: {  	s0 =	sor.u32 s3, s0;
	s1 =	sshll.u32 s1, $0x11  }
0xbb: {  	s0 =	sor.u32 s1, s0  }
0xbc: {  	s0 =	sadd.s32 $0x8F2B, s0  }
0xbd: {  	[sflag:s0] =	ssyncadd.remote.s32 $0x1  }
0xbe: {  	_ =	sfence.sel $0xFFFF  }
0xbf: {  	[dreg:$0x0] =	wrdreg $0xFFFFFFFF;
	(pc) =	sbr.abs _section_cstart, $3  }
0xc0: {  	[dreg:$0x1] =	wrdreg $0xFFFFFFFF  }
0xc1: {  	_ =	task.clear_ibuf [dreg:s7], $0x2FFFF;
	_ =	strace $0x9FFFFFFF  }
0xc2: {  	(tm) =	ssettm $0x7FFFFFFF  }
0xc3: {  	_ =	shalt  }
tec
execute0_lowered:
.L_overlay_start_1:
0x0: {  	(tag) =	ssettag $0x1  }
0x1: {  	s0 =	srdreg.scid  }
0x2: {  	s1 =	rddreg [dreg:$0x0];
	s2 =	stileid.u32  }
0x3: {  	s3 =	rddreg [dreg:$0x1];
	s26 =	simm.s32 $0x80;
	s10 =	simm.s32 $0x1  }
0x4: {  	s22 =	simm.s32 $0x2100;
	s23 =	simm.s32 $0x2900;
	s24 =	simm.s32 $0x3100  }
0x5: {  	s25 =	simm.s32 $0x3900;
	s28 =	simm.s32 $0x4900;
	s29 =	simm.s32 $0x5100  }
0x6: {  	s30 =	simm.s32 $0x5900;
	s31 =	simm.s32 $0x6100;
	s11 =	simm.s32 $0x8100  }
0x7: {  	s12 =	simm.s32 $0x8900;
	s13 =	simm.s32 $0x9100;
	s14 =	simm.s32 $0x9900  }
0x8: {  	s15 =	simm.s32 $0xA100;
	s16 =	simm.s32 $0xA900;
	s17 =	simm.s32 $0xB100  }
0x9: {  	s18 =	simm.s32 $0xB900;
	s9 =	simm.s32 $0xC100;
	s0 =	sand.u32 $0x1, s0  }
0xa: {  	s4 =	sshll.u32 s2, $0x7;
	s2 =	simm.s32 $0x0;
	s7 =	sadd.s32 $0x700, s3  }
0xb: {  	s5 =	sshll.u32 s0, $0x6;
	[smem:$0x7FF] =	sst s2;
	s0 =	ssub.s32 $0x2, s0  }
0xc: {  	s4 =	sor.u32 s5, s4;
	_ =	strace $0x80000047;
	s6 =	sshrl.u32 s0, $0x1  }
0xd: {  	[dreg:$0x5] =	wrdreg s26;
	s26 =	simm.s32 $0x4100;
	s5 =	sshrl.u32 s4, $0x3  }
0xe: {  	s4 =	sshll.u32 s4, $0x7;
	s0 =	ssub.s32 s0, s6;
	s5 =	sadd.s32 s3, s5  }
0xf: {  	v2 =	vlaneseq.u32;
	s6 =	sadd.s32 $0x600, s3;
	s1 =	sadd.s32 s1, s4;
	[dreg:$0x6] =	wrdreg s5  }
0x10: {  	vm0 =	vmmov $0xffff;
	v1 =	vshrl.u32 v2, $0x3;
	s4 =	sadd.s32 $0x400, s3;
	s5 =	sadd.s32 $0x200, s5;
	[dreg:$0x4] =	wrdreg s1  }
0x11: {  	v0 =	vand.u32 $0x7, v2;
	v2 =	vor.u32 $0x8, v2;
	v1 =	vmul.u32 $0x8, v1;
	s8 =	smax.u32 s0, $0x1;
	[dreg:$0x3] =	wrdreg s5;
	s5 =	sadd.s32 $0x500, s3  }
.LBB2_1:
0x12: {  	s19 =	rddreg [dreg:$0x3]  }
0x13: {  	s21 =	rddreg [dreg:$0x6]  }
0x14: {  	[tilespmem:s2], [sflag:$0x1] =	stream.linear.gather [hbm4b:s21+s2], $0x40, $0x38;
	[tilespmem:$0x10100] =	vst v63  }
0x15: {  	s20 =	rddreg [dreg:$0x5]  }
0x16: {  	[tilespmem:s20], [sflag:$0x1] =	stream.linear.gather [hbm4b:s19+s2], $0x40, $0x38;
	[tilespmem:$0x10100] =	vst v63  }
0x17: {  	s3 =	rddreg [dreg:$0x4];
	s0 =	simm.s32 $0x100  }
0x18: {  	[tilespmem:s0], [sflag:$0x1] =	stream.linear.gather [hbm4b:s3+s2], $0x10000, $0x38;
	[tilespmem:$0x10100] =	vst v63  }
0x19: {  	_ =	swait.ge [sflag:s10], $0x40  }
0x1a: {  	[sflag:s10] =	ssyncset.done $0x0  }
0x1b: {  	[sflag:s10] =	ssyncadd.s32 $0xFFFFFFC0  }
0x1c: {  	_ =	swait.ge [sflag:s10], $0x40  }
0x1d: {  	[sflag:s10] =	ssyncset.done $0x0  }
0x1e: {  	[sflag:s10] =	ssyncadd.s32 $0xFFFFFFC0  }
0x1f: {  	_ =	swait.ge [sflag:s10], $0x10000  }
0x20: {  	[sflag:s10] =	ssyncset.done $0x0  }
0x21: {  	[sflag:s10] =	ssyncadd.s32 $0xFFFF0000  }
0x22: {  	v3 =	vld [tilespmem:$0x0];
	_ =	sdelay $0x4  }
0x23: {  	v4 =	vshll.u32 v3, $0x3  }
0x24: {  	v3 =	vand.u32 $0x7, v3;
	v4 =	vand.u32 $0xFFFFFFC0, v4  }
0x25: {  	v3 =	vor.u32 v3, v4  }
0x26: {  	v4 =	vperm.xlane v3, v0;
	_ =	sdelay $0x1  }
0x27: {  	v4 =	vadd.s32 v1, v4;
	_ =	sdelay $0x4  }
0x28: {  	[hbm4b:s4+s2] =	stream.indirect_vreg.scatter [tilespmem:s0], [sflag:$0x1], $0x80, v4, vm0, $0xb8;
	[tilespmem:$0x10100] =	vst v63  }
0x29: {  	s19 =	simm.s32 $0x900;
	v3 =	vperm.xlane v3, v2  }
0x2a: {  	[hbm4b:s5+s2] =	stream.indirect_vreg.scatter [tilespmem:s19], [sflag:$0x1], $0x80, v4, vm0, $0xb8;
	[tilespmem:$0x10100] =	vst v63  }
0x2b: {  	s20 =	simm.s32 $0x1100;
	v3 =	vadd.s32 v1, v3  }
0x2c: {  	[hbm4b:s6+s2] =	stream.indirect_vreg.scatter [tilespmem:s20], [sflag:$0x1], $0x80, v4, vm0, $0xb8;
	[tilespmem:$0x10100] =	vst v63  }
0x2d: {  	s21 =	simm.s32 $0x1900  }
0x2e: {  	[hbm4b:s7+s2] =	stream.indirect_vreg.scatter [tilespmem:s21], [sflag:$0x1], $0x80, v4, vm0, $0xb8;
	[tilespmem:$0x10100] =	vst v63  }
0x2f: {  	_ = 	snop  }
0x30: {  	[hbm4b:s4+s2] =	stream.indirect_vreg.scatter [tilespmem:s22], [sflag:$0x1], $0x80, v3, vm0, $0xb8;
	[tilespmem:$0x10100] =	vst v63  }
0x31: {  	_ = 	snop  }
0x32: {  	[hbm4b:s5+s2] =	stream.indirect_vreg.scatter [tilespmem:s23], [sflag:$0x1], $0x80, v3, vm0, $0xb8;
	[tilespmem:$0x10100] =	vst v63  }
0x33: {  	_ = 	snop  }
0x34: {  	[hbm4b:s6+s2] =	stream.indirect_vreg.scatter [tilespmem:s24], [sflag:$0x1], $0x80, v3, vm0, $0xb8;
	[tilespmem:$0x10100] =	vst v63  }
0x35: {  	_ = 	snop  }
0x36: {  	[hbm4b:s7+s2] =	stream.indirect_vreg.scatter [tilespmem:s25], [sflag:$0x1], $0x80, v3, vm0, $0xb8;
	[tilespmem:$0x10100] =	vst v63  }
0x37: {  	v3 =	vld [tilespmem:$0x10];
	_ =	sdelay $0x4  }
0x38: {  	v57 =	vshll.u32 v3, $0x3  }
0x39: {  	v3 =	vand.u32 $0x7, v3;
	v4 =	vand.u32 $0xFFFFFFC0, v57  }
0x3a: {  	v3 =	vor.u32 v3, v4  }
0x3b: {  	v4 =	vperm.xlane v3, v0;
	_ =	sdelay $0x1  }
0x3c: {  	v4 =	vadd.s32 v1, v4;
	_ =	sdelay $0x4  }
0x3d: {  	[hbm4b:s4+s2] =	stream.indirect_vreg.scatter [tilespmem:s26], [sflag:$0x1], $0x80, v4, vm0, $0xb8;
	[tilespmem:$0x10100] =	vst v63  }
0x3e: {  	v3 =	vperm.xlane v3, v2  }
0x3f: {  	[hbm4b:s5+s2] =	stream.indirect_vreg.scatter [tilespmem:s28], [sflag:$0x1], $0x80, v4, vm0, $0xb8;
	[tilespmem:$0x10100] =	vst v63  }
0x40: {  	v3 =	vadd.s32 v1, v3  }
0x41: {  	[hbm4b:s6+s2] =	stream.indirect_vreg.scatter [tilespmem:s29], [sflag:$0x1], $0x80, v4, vm0, $0xb8;
	[tilespmem:$0x10100] =	vst v63  }
0x42: {  	_ = 	snop  }
0x43: {  	[hbm4b:s7+s2] =	stream.indirect_vreg.scatter [tilespmem:s30], [sflag:$0x1], $0x80, v4, vm0, $0xb8;
	[tilespmem:$0x10100] =	vst v63  }
0x44: {  	_ = 	snop  }
0x45: {  	[hbm4b:s4+s2] =	stream.indirect_vreg.scatter [tilespmem:s31], [sflag:$0x1], $0x80, v3, vm0, $0xb8;
	[tilespmem:$0x10100] =	vst v63  }
0x46: {  	s1 =	simm.s32 $0x6900  }
0x47: {  	[hbm4b:s5+s2] =	stream.indirect_vreg.scatter [tilespmem:s1], [sflag:$0x1], $0x80, v3, vm0, $0xb8;
	[tilespmem:$0x10100] =	vst v63  }
0x48: {  	s3 =	simm.s32 $0x7100  }
0x49: {  	[hbm4b:s6+s2] =	stream.indirect_vreg.scatter [tilespmem:s3], [sflag:$0x1], $0x80, v3, vm0, $0xb8;
	[tilespmem:$0x10100] =	vst v63  }
0x4a: {  	s3 =	simm.s32 $0x7900  }
0x4b: {  	[hbm4b:s7+s2] =	stream.indirect_vreg.scatter [tilespmem:s3], [sflag:$0x1], $0x80, v3, vm0, $0xb8;
	[tilespmem:$0x10100] =	vst v63  }
0x4c: {  	v3 =	vld [tilespmem:$0x20];
	_ =	sdelay $0x4  }
0x4d: {  	v58 =	vshll.u32 v3, $0x3  }
0x4e: {  	v3 =	vand.u32 $0x7, v3;
	v4 =	vand.u32 $0xFFFFFFC0, v58  }
0x4f: {  	v3 =	vor.u32 v3, v4  }
0x50: {  	v4 =	vperm.xlane v3, v0;
	_ =	sdelay $0x1  }
0x51: {  	v4 =	vadd.s32 v1, v4;
	_ =	sdelay $0x4  }
0x52: {  	[hbm4b:s4+s2] =	stream.indirect_vreg.scatter [tilespmem:s11], [sflag:$0x1], $0x80, v4, vm0, $0xb8;
	[tilespmem:$0x10100] =	vst v63  }
0x53: {  	v3 =	vperm.xlane v3, v2  }
0x54: {  	[hbm4b:s5+s2] =	stream.indirect_vreg.scatter [tilespmem:s12], [sflag:$0x1], $0x80, v4, vm0, $0xb8;
	[tilespmem:$0x10100] =	vst v63  }
0x55: {  	v3 =	vadd.s32 v1, v3  }
0x56: {  	[hbm4b:s6+s2] =	stream.indirect_vreg.scatter [tilespmem:s13], [sflag:$0x1], $0x80, v4, vm0, $0xb8;
	[tilespmem:$0x10100] =	vst v63  }
0x57: {  	_ = 	snop  }
0x58: {  	[hbm4b:s7+s2] =	stream.indirect_vreg.scatter [tilespmem:s14], [sflag:$0x1], $0x80, v4, vm0, $0xb8;
	[tilespmem:$0x10100] =	vst v63  }
0x59: {  	_ = 	snop  }
0x5a: {  	[hbm4b:s4+s2] =	stream.indirect_vreg.scatter [tilespmem:s15], [sflag:$0x1], $0x80, v3, vm0, $0xb8;
	[tilespmem:$0x10100] =	vst v63  }
0x5b: {  	_ = 	snop  }
0x5c: {  	[hbm4b:s5+s2] =	stream.indirect_vreg.scatter [tilespmem:s16], [sflag:$0x1], $0x80, v3, vm0, $0xb8;
	[tilespmem:$0x10100] =	vst v63  }
0x5d: {  	_ = 	snop  }
0x5e: {  	[hbm4b:s6+s2] =	stream.indirect_vreg.scatter [tilespmem:s17], [sflag:$0x1], $0x80, v3, vm0, $0xb8;
	[tilespmem:$0x10100] =	vst v63  }
0x5f: {  	_ = 	snop  }
0x60: {  	[hbm4b:s7+s2] =	stream.indirect_vreg.scatter [tilespmem:s18], [sflag:$0x1], $0x80, v3, vm0, $0xb8;
	[tilespmem:$0x10100] =	vst v63  }
0x61: {  	v3 =	vld [tilespmem:$0x30];
	_ =	sdelay $0x4  }
0x62: {  	v59 =	vshll.u32 v3, $0x3  }
0x63: {  	v3 =	vand.u32 $0x7, v3;
	v4 =	vand.u32 $0xFFFFFFC0, v59  }
0x64: {  	v3 =	vor.u32 v3, v4  }
0x65: {  	v4 =	vperm.xlane v3, v0;
	_ =	sdelay $0x1  }
0x66: {  	v4 =	vadd.s32 v1, v4;
	_ =	sdelay $0x4  }
0x67: {  	[hbm4b:s4+s2] =	stream.indirect_vreg.scatter [tilespmem:s9], [sflag:$0x1], $0x80, v4, vm0, $0xb8;
	[tilespmem:$0x10100] =	vst v63  }
0x68: {  	s1 =	simm.s32 $0xC900;
	v3 =	vperm.xlane v3, v2  }
0x69: {  	[hbm4b:s5+s2] =	stream.indirect_vreg.scatter [tilespmem:s1], [sflag:$0x1], $0x80, v4, vm0, $0xb8;
	[tilespmem:$0x10100] =	vst v63  }
0x6a: {  	v3 =	vadd.s32 v1, v3;
	s1 =	simm.s32 $0xD100  }
0x6b: {  	[hbm4b:s6+s2] =	stream.indirect_vreg.scatter [tilespmem:s1], [sflag:$0x1], $0x80, v4, vm0, $0xb8;
	[tilespmem:$0x10100] =	vst v63  }
0x6c: {  	s1 =	simm.s32 $0xD900  }
0x6d: {  	[hbm4b:s7+s2] =	stream.indirect_vreg.scatter [tilespmem:s1], [sflag:$0x1], $0x80, v4, vm0, $0xb8;
	[tilespmem:$0x10100] =	vst v63  }
0x6e: {  	s1 =	simm.s32 $0xE100  }
0x6f: {  	[hbm4b:s4+s2] =	stream.indirect_vreg.scatter [tilespmem:s1], [sflag:$0x1], $0x80, v3, vm0, $0xb8;
	[tilespmem:$0x10100] =	vst v63  }
0x70: {  	s1 =	simm.s32 $0xE900  }
0x71: {  	[hbm4b:s5+s2] =	stream.indirect_vreg.scatter [tilespmem:s1], [sflag:$0x1], $0x80, v3, vm0, $0xb8;
	[tilespmem:$0x10100] =	vst v63  }
0x72: {  	s1 =	simm.s32 $0xF100  }
0x73: {  	[hbm4b:s6+s2] =	stream.indirect_vreg.scatter [tilespmem:s1], [sflag:$0x1], $0x80, v3, vm0, $0xb8;
	[tilespmem:$0x10100] =	vst v63  }
0x74: {  	s1 =	simm.s32 $0xF900  }
0x75: {  	[hbm4b:s7+s2] =	stream.indirect_vreg.scatter [tilespmem:s1], [sflag:$0x1], $0x80, v3, vm0, $0xb8;
	[tilespmem:$0x10100] =	vst v63  }
0x76: {  	v3 =	vld [tilespmem:$0x80];
	_ =	sdelay $0x4  }
0x77: {  	v60 =	vshll.u32 v3, $0x3  }
0x78: {  	v3 =	vand.u32 $0x7, v3;
	v4 =	vand.u32 $0xFFFFFFC0, v60  }
0x79: {  	v3 =	vor.u32 v3, v4  }
0x7a: {  	v4 =	vperm.xlane v3, v0;
	_ =	sdelay $0x1  }
0x7b: {  	v4 =	vadd.s32 v1, v4;
	_ =	sdelay $0x4  }
0x7c: {  	[hbm4b:s4+s2] =	stream.indirect_vreg.scatter [tilespmem:s0], [sflag:$0x1], $0x80, v4, vm0, $0xb8;
	[tilespmem:$0x10100] =	vst v63  }
0x7d: {  	v3 =	vperm.xlane v3, v2  }
0x7e: {  	[hbm4b:s5+s2] =	stream.indirect_vreg.scatter [tilespmem:s19], [sflag:$0x1], $0x80, v4, vm0, $0xb8;
	[tilespmem:$0x10100] =	vst v63  }
0x7f: {  	v3 =	vadd.s32 v1, v3  }
0x80: {  	[hbm4b:s6+s2] =	stream.indirect_vreg.scatter [tilespmem:s20], [sflag:$0x1], $0x80, v4, vm0, $0xb8;
	[tilespmem:$0x10100] =	vst v63  }
0x81: {  	_ = 	snop  }
0x82: {  	[hbm4b:s7+s2] =	stream.indirect_vreg.scatter [tilespmem:s21], [sflag:$0x1], $0x80, v4, vm0, $0xb8;
	[tilespmem:$0x10100] =	vst v63  }
0x83: {  	_ = 	snop  }
0x84: {  	[hbm4b:s4+s2] =	stream.indirect_vreg.scatter [tilespmem:s22], [sflag:$0x1], $0x80, v3, vm0, $0xb8;
	[tilespmem:$0x10100] =	vst v63  }
0x85: {  	_ = 	snop  }
0x86: {  	[hbm4b:s5+s2] =	stream.indirect_vreg.scatter [tilespmem:s23], [sflag:$0x1], $0x80, v3, vm0, $0xb8;
	[tilespmem:$0x10100] =	vst v63  }
0x87: {  	_ = 	snop  }
0x88: {  	[hbm4b:s6+s2] =	stream.indirect_vreg.scatter [tilespmem:s24], [sflag:$0x1], $0x80, v3, vm0, $0xb8;
	[tilespmem:$0x10100] =	vst v63  }
0x89: {  	_ = 	snop  }
0x8a: {  	[hbm4b:s7+s2] =	stream.indirect_vreg.scatter [tilespmem:s25], [sflag:$0x1], $0x80, v3, vm0, $0xb8;
	[tilespmem:$0x10100] =	vst v63  }
0x8b: {  	v3 =	vld [tilespmem:$0x90];
	_ =	sdelay $0x4  }
0x8c: {  	v61 =	vshll.u32 v3, $0x3  }
0x8d: {  	v3 =	vand.u32 $0x7, v3;
	v4 =	vand.u32 $0xFFFFFFC0, v61  }
0x8e: {  	v3 =	vor.u32 v3, v4  }
0x8f: {  	v4 =	vperm.xlane v3, v0;
	_ =	sdelay $0x1  }
0x90: {  	v4 =	vadd.s32 v1, v4;
	_ =	sdelay $0x4  }
0x91: {  	[hbm4b:s4+s2] =	stream.indirect_vreg.scatter [tilespmem:s26], [sflag:$0x1], $0x80, v4, vm0, $0xb8;
	[tilespmem:$0x10100] =	vst v63  }
0x92: {  	v3 =	vperm.xlane v3, v2  }
0x93: {  	[hbm4b:s5+s2] =	stream.indirect_vreg.scatter [tilespmem:s28], [sflag:$0x1], $0x80, v4, vm0, $0xb8;
	[tilespmem:$0x10100] =	vst v63  }
0x94: {  	v3 =	vadd.s32 v1, v3  }
0x95: {  	[hbm4b:s6+s2] =	stream.indirect_vreg.scatter [tilespmem:s29], [sflag:$0x1], $0x80, v4, vm0, $0xb8;
	[tilespmem:$0x10100] =	vst v63  }
0x96: {  	_ = 	snop  }
0x97: {  	[hbm4b:s7+s2] =	stream.indirect_vreg.scatter [tilespmem:s30], [sflag:$0x1], $0x80, v4, vm0, $0xb8;
	[tilespmem:$0x10100] =	vst v63  }
0x98: {  	_ = 	snop  }
0x99: {  	[hbm4b:s4+s2] =	stream.indirect_vreg.scatter [tilespmem:s31], [sflag:$0x1], $0x80, v3, vm0, $0xb8;
	[tilespmem:$0x10100] =	vst v63  }
0x9a: {  	s21 =	simm.s32 $0x6900  }
0x9b: {  	[hbm4b:s5+s2] =	stream.indirect_vreg.scatter [tilespmem:s21], [sflag:$0x1], $0x80, v3, vm0, $0xb8;
	[tilespmem:$0x10100] =	vst v63  }
0x9c: {  	s19 =	simm.s32 $0x7100  }
0x9d: {  	[hbm4b:s6+s2] =	stream.indirect_vreg.scatter [tilespmem:s19], [sflag:$0x1], $0x80, v3, vm0, $0xb8;
	[tilespmem:$0x10100] =	vst v63  }
0x9e: {  	_ = 	snop  }
0x9f: {  	[hbm4b:s7+s2] =	stream.indirect_vreg.scatter [tilespmem:s3], [sflag:$0x1], $0x80, v3, vm0, $0xb8;
	[tilespmem:$0x10100] =	vst v63  }
0xa0: {  	v3 =	vld [tilespmem:$0xA0];
	_ =	sdelay $0x4  }
0xa1: {  	v62 =	vshll.u32 v3, $0x3  }
0xa2: {  	v3 =	vand.u32 $0x7, v3;
	v4 =	vand.u32 $0xFFFFFFC0, v62  }
0xa3: {  	v3 =	vor.u32 v3, v4  }
0xa4: {  	v4 =	vperm.xlane v3, v0;
	_ =	sdelay $0x1  }
0xa5: {  	v4 =	vadd.s32 v1, v4;
	_ =	sdelay $0x4  }
0xa6: {  	[hbm4b:s4+s2] =	stream.indirect_vreg.scatter [tilespmem:s11], [sflag:$0x1], $0x80, v4, vm0, $0xb8;
	[tilespmem:$0x10100] =	vst v63  }
0xa7: {  	v3 =	vperm.xlane v3, v2  }
0xa8: {  	[hbm4b:s5+s2] =	stream.indirect_vreg.scatter [tilespmem:s12], [sflag:$0x1], $0x80, v4, vm0, $0xb8;
	[tilespmem:$0x10100] =	vst v63  }
0xa9: {  	v3 =	vadd.s32 v1, v3  }
0xaa: {  	[hbm4b:s6+s2] =	stream.indirect_vreg.scatter [tilespmem:s13], [sflag:$0x1], $0x80, v4, vm0, $0xb8;
	[tilespmem:$0x10100] =	vst v63  }
0xab: {  	_ = 	snop  }
0xac: {  	[hbm4b:s7+s2] =	stream.indirect_vreg.scatter [tilespmem:s14], [sflag:$0x1], $0x80, v4, vm0, $0xb8;
	[tilespmem:$0x10100] =	vst v63  }
0xad: {  	_ = 	snop  }
0xae: {  	[hbm4b:s4+s2] =	stream.indirect_vreg.scatter [tilespmem:s15], [sflag:$0x1], $0x80, v3, vm0, $0xb8;
	[tilespmem:$0x10100] =	vst v63  }
0xaf: {  	_ = 	snop  }
0xb0: {  	[hbm4b:s5+s2] =	stream.indirect_vreg.scatter [tilespmem:s16], [sflag:$0x1], $0x80, v3, vm0, $0xb8;
	[tilespmem:$0x10100] =	vst v63  }
0xb1: {  	_ = 	snop  }
0xb2: {  	[hbm4b:s6+s2] =	stream.indirect_vreg.scatter [tilespmem:s17], [sflag:$0x1], $0x80, v3, vm0, $0xb8;
	[tilespmem:$0x10100] =	vst v63  }
0xb3: {  	_ = 	snop  }
0xb4: {  	[hbm4b:s7+s2] =	stream.indirect_vreg.scatter [tilespmem:s18], [sflag:$0x1], $0x80, v3, vm0, $0xb8;
	[tilespmem:$0x10100] =	vst v63  }
0xb5: {  	v3 =	vld [tilespmem:$0xB0];
	_ =	sdelay $0x4  }
0xb6: {  	v63 =	vshll.u32 v3, $0x3  }
0xb7: {  	v3 =	vand.u32 $0x7, v3;
	v4 =	vand.u32 $0xFFFFFFC0, v63  }
0xb8: {  	v3 =	vor.u32 v3, v4  }
0xb9: {  	v4 =	vperm.xlane v3, v0;
	_ =	sdelay $0x1  }
0xba: {  	v4 =	vadd.s32 v1, v4;
	_ =	sdelay $0x4  }
0xbb: {  	[hbm4b:s4+s2] =	stream.indirect_vreg.scatter [tilespmem:s9], [sflag:$0x1], $0x80, v4, vm0, $0xb8;
	[tilespmem:$0x10100] =	vst v63  }
0xbc: {  	s20 =	simm.s32 $0xC900;
	v3 =	vperm.xlane v3, v2  }
0xbd: {  	[hbm4b:s5+s2] =	stream.indirect_vreg.scatter [tilespmem:s20], [sflag:$0x1], $0x80, v4, vm0, $0xb8;
	[tilespmem:$0x10100] =	vst v63  }
0xbe: {  	s21 =	simm.s32 $0xD100;
	v3 =	vadd.s32 v1, v3  }
0xbf: {  	[hbm4b:s6+s2] =	stream.indirect_vreg.scatter [tilespmem:s21], [sflag:$0x1], $0x80, v4, vm0, $0xb8;
	[tilespmem:$0x10100] =	vst v63  }
0xc0: {  	s3 =	simm.s32 $0xD900  }
0xc1: {  	[hbm4b:s7+s2] =	stream.indirect_vreg.scatter [tilespmem:s3], [sflag:$0x1], $0x80, v4, vm0, $0xb8;
	[tilespmem:$0x10100] =	vst v63  }
0xc2: {  	s19 =	simm.s32 $0xE100  }
0xc3: {  	[hbm4b:s4+s2] =	stream.indirect_vreg.scatter [tilespmem:s19], [sflag:$0x1], $0x80, v3, vm0, $0xb8;
	[tilespmem:$0x10100] =	vst v63  }
0xc4: {  	s20 =	simm.s32 $0xE900  }
0xc5: {  	[hbm4b:s5+s2] =	stream.indirect_vreg.scatter [tilespmem:s20], [sflag:$0x1], $0x80, v3, vm0, $0xb8;
	[tilespmem:$0x10100] =	vst v63  }
0xc6: {  	s21 =	simm.s32 $0xF100  }
0xc7: {  	[hbm4b:s6+s2] =	stream.indirect_vreg.scatter [tilespmem:s21], [sflag:$0x1], $0x80, v3, vm0, $0xb8;
	[tilespmem:$0x10100] =	vst v63  }
0xc8: {  	s1 =	simm.s32 $0xF900  }
0xc9: {  	[hbm4b:s7+s2] =	stream.indirect_vreg.scatter [tilespmem:s1], [sflag:$0x1], $0x80, v3, vm0, $0xb8;
	[tilespmem:$0x10100] =	vst v63  }
0xca: {  	p0 =	sne.s32 s8, $0x1;
	_ =	swait.ge [sflag:s10], $0x10000  }
.Ltmp0:
0xcb: {  	[sflag:s10] =	ssyncset.done $0x0;
	(pc) =	sbr.rel @p0 .LBB2_1-.Ltmp0, $4  }
0xcc: {  	[sflag:s10] =	ssyncadd.s32 $0xFFFF0000  }
0xcd: {  	_ =	swait.ge [sflag:s10], $0x10000  }
0xce: {  	[sflag:s10] =	ssyncset.done $0x0  }
0xcf: {  	s8 =	sadd.s32 $0xFFFFFFFF, s8;
	[sflag:s10] =	ssyncadd.s32 $0xFFFF0000  }
0xd0: {  	_ =	sfence.sel $0x180000  }
0xd1: {  	[bflag:$0x0] =	sbarrier.arrive $0xFFFF  }
0xd2: {  	_ =	strace $0x90000047  }
0xd3: {  	s0 =	stileid.u32;
	[bflag:$0x2] =	sbarrier.arrive $0xFFFF  }
0xd4: {  	p0 =	sne.s32 s0, $0x0;
	s0 =	rddreg [dreg:$0x2]  }
0xd5: {  	s0 =	sadd.s32 @!p0 $0x100000, s0  }
0xd6: {  	[sflag:s0] =	ssyncadd.tile.s32 @!p0 $0x1;
	_ =	shalt  }
.Lfunc_end2:
_tile_overlayer_lowered:
.L_overlay_start_2:
0xd7: {  	(tag) =	ssettag $0x2  }
0xd8: {  	s0 =	rddreg [dreg:$0x0];
	s2 =	stileid.u32  }
0xd9: {  	s1 =	rddreg [dreg:$0x1];
	p0 =	sne.s32 s2, $0x0  }
0xda: {  	s3 =	rddreg [dreg:$0x2];
	[bflag:$0x3] =	sbarrier.arrive $0xFFFF;
	s2 =	simm.s32 @!p0 $0x1C02  }
0xdb: {  	[timem:s3], [sflag:s2] =	dma.local @!p0 [hbm:s0], s1  }
0xdc: {  	s0 =	simm.s32 @!p0 $0x2  }
0xdd: {  	_ =	swait.ge @!p0 [sflag:s0], s1  }
0xde: {  	s1 =	ssub.s32 @!p0 $0x0, s1;
	[sflag:s0] =	ssyncset.done @!p0 $0x0  }
0xdf: {  	[sflag:s0] =	ssyncadd.s32 @!p0 s1  }
0xe0: {  	[bflag:$0x3] =	sbarrier.arrive $0xFFFF  }
0xe1: {  	_ =	shalt  }

// kernel: kernel.9.cloned.1.call-start
scs
__scs_entry_jumppad:
0x0: {  	(pc) =	sbr.rel $0x88, $3  }
0x1: {  	(tag) =	ssettag $0x0;
	lr =	simm.s32 $0x1  }
0x2: {  	[smem:$0x3F9C] =	sst lr;
	_ =	strace $0xD0000000  }
0x3: {  	_ = 	snop  }
0x4: {  	_ = 	snop  }
0x5: {  	_ = 	snop  }
0x6: {  	_ = 	snop  }
0x7: {  	_ = 	snop  }
__scs_overlays_trampoline_lowered:
0x8: {  	[smem:$0x3FAB] =	sst s0  }
0x9: {  	[smem:$0x3FAC] =	sst s1  }
0xa: {  	[smem:$0x3FAD] =	sst s2  }
0xb: {  	[smem:$0x3FAE] =	sst s3  }
0xc: {  	[smem:$0x3FAF] =	sst s4  }
0xd: {  	[smem:$0x3FB0] =	sst s5  }
0xe: {  	[smem:$0x3FB1] =	sst s6  }
0xf: {  	[smem:$0x3FB2] =	sst s7  }
0x10: {  	[smem:$0x3FB3] =	sst s8  }
0x11: {  	[smem:$0x3FB4] =	sst s9;
	s0 =	simm.s32 @!p0 $0x0  }
0x12: {  	s1 =	sld [smem:$0x3F9A];
	s0 =	simm.s32 @p0 $0x1  }
0x13: {  	[smem:$0x3FB5] =	sst s0;
	s0 =	simm.s32 @!p1 $0x0  }
0x14: {  	s2 =	sld [smem:$0x3F99];
	s0 =	simm.s32 @p1 $0x1  }
0x15: {  	[smem:$0x3FB6] =	sst s0;
	s0 =	simm.s32 @!p2 $0x0  }
0x16: {  	s3 =	sld [smem:$0x3FDB];
	s0 =	simm.s32 @p2 $0x1  }
0x17: {  	s4 =	simm.s32 $0x1BF5;
	[smem:$0x3FB8] =	sst s0  }
0x18: {  	s0 =	sld [smem:$0x3F9B];
	_ =	swait.ge [sflag:s4], $0x0  }
0x19: {  	s7 =	sld [smem:$0x3F9C]  }
0x1a: {  	s8 =	sadd.s32 $0xFFFFE003, lr  }
0x1b: {  	s9 =	sadd.s32 $0xFFFFFEF7, lr;
	s5 =	simm.s32 $0xFFFFFFFF;
	p2 =	slt.u32 s8, $0xFFFFF086  }
0x1c: {  	p1 =	slt.u32 s9, $0xF7A;
	s5 =	simm.s32 @!p2 $0x0  }
0x1d: {  	s5 =	simm.s32 @p1 $0x1;
	p0 =	seq.s32 s7, s2  }
0x1e: {  	s7 =	smul.u32 @!p0 $0xF7A, s2;
	p2 =	seq.s32 @!p0 s5, $0x0  }
0x1f: {  	s9 =	smul.u32 $0xF7A, s1;
	s8 =	simm.s32 @!p0 $0x1BF5;
	p2 =	por !p2, p0  }
0x20: {  	[sflag:s8] =	ssyncset.s32 @!p0 $0xFFFFF086;
	s6 =	sadd.s32 @!p0 s3, s7;
	s7 =	simm.s32 @!p0 $0x108  }
0x21: {  	s3 =	sadd.s32 s3, s9;
	s6 =	sadd.s32 @!p0 $0x88, s6;
	s7 =	simm.s32 @p2 $0x1082  }
0x22: {  	[simem:s7], [sflag:s8] =	dma.local @!p0 [hbm:s6], $0xF7A  }
0x23: {  	s9 =	sor.u32 $0xD0000000, s2;
	s6 =	simm.s32 $0x108;
	_ =	swait.ge @!p0 [sflag:s8], $0x0  }
0x24: {  	s3 =	sadd.s32 $0x88, s3;
	s6 =	simm.s32 @!p1 $0x1082;
	[sflag:s4] =	ssyncset.s32 $0xFFFFF086  }
0x25: {  	[simem:s6], [sflag:s4] =	dma.local [hbm:s3], $0xF7A  }
0x26: {  	[smem:$0x3F9C] =	sst s1;
	(tag) =	ssettag s2;
	_ =	strace s9  }
0x27: {  	s1 =	sld [smem:$0x3FAC]  }
0x28: {  	s2 =	sld [smem:$0x3FAD]  }
0x29: {  	s4 =	sld [smem:$0x3FAF]  }
0x2a: {  	p0 =	seq.s32 s5, $0x0;
	s5 =	sld [smem:$0x3FB0]  }
0x2b: {  	s6 =	sld [smem:$0x3FB1]  }
0x2c: {  	s7 =	sld [smem:$0x3FB2]  }
0x2d: {  	s3 =	simm.s32 $0x108;
	s8 =	sld [smem:$0x3FB3]  }
0x2e: {  	s3 =	simm.s32 @!p0 $0x1082;
	s9 =	sld [smem:$0x3FB4]  }
0x2f: {  	lr =	sadd.s32 s0, s3;
	s0 =	sld [smem:$0x3FAB]  }
0x30: {  	s3 =	sld [smem:$0x3FAE]  }
0x31: {  	[smem:$0x3FB7] =	sst s10  }
0x32: {  	s10 =	sld [smem:$0x3FB5];
	_ =	sdelay $0x3  }
0x33: {  	p0 =	seq.s32 s10, $0x1;
	s10 =	sld [smem:$0x3FB7];
	_ =	sdelay $0x3  }
0x34: {  	[smem:$0x3FB7] =	sst s10  }
0x35: {  	s10 =	sld [smem:$0x3FB6];
	_ =	sdelay $0x3  }
0x36: {  	p1 =	seq.s32 s10, $0x1;
	s10 =	sld [smem:$0x3FB7];
	_ =	sdelay $0x3  }
0x37: {  	[smem:$0x3FB7] =	sst s10  }
0x38: {  	s10 =	sld [smem:$0x3FB8]  }
0x39: {  	_ = 	snop;
	(pc) =	sbr.ind lr, $3  }
0x3a: {  	_ = 	snop  }
0x3b: {  	_ = 	snop  }
0x3c: {  	p2 =	seq.s32 s10, $0x1;
	s10 =	sld [smem:$0x3FB7]  }
0x3d: {  	_ =	shalt  }
0x3e: {  	_ =	shalt  }
0x3f: {  	_ =	shalt  }
0x40: {  	_ =	shalt  }
0x41: {  	_ =	shalt  }
0x42: {  	_ =	shalt  }
0x43: {  	_ =	shalt  }
0x44: {  	_ =	shalt  }
0x45: {  	_ =	shalt  }
0x46: {  	_ =	shalt  }
0x47: {  	_ =	shalt  }
0x48: {  	_ =	shalt  }
0x49: {  	_ =	shalt  }
0x4a: {  	_ =	shalt  }
0x4b: {  	_ =	shalt  }
0x4c: {  	_ =	shalt  }
0x4d: {  	_ =	shalt  }
0x4e: {  	_ =	shalt  }
0x4f: {  	_ =	shalt  }
0x50: {  	_ =	shalt  }
0x51: {  	_ =	shalt  }
0x52: {  	_ =	shalt  }
0x53: {  	_ =	shalt  }
0x54: {  	_ =	shalt  }
0x55: {  	_ =	shalt  }
0x56: {  	_ =	shalt  }
0x57: {  	_ =	shalt  }
0x58: {  	_ =	shalt  }
0x59: {  	_ =	shalt  }
0x5a: {  	_ =	shalt  }
0x5b: {  	_ =	shalt  }
0x5c: {  	_ =	shalt  }
0x5d: {  	_ =	shalt  }
0x5e: {  	_ =	shalt  }
0x5f: {  	_ =	shalt  }
0x60: {  	_ =	shalt  }
0x61: {  	_ =	shalt  }
0x62: {  	_ =	shalt  }
0x63: {  	_ =	shalt  }
0x64: {  	_ =	shalt  }
0x65: {  	_ =	shalt  }
0x66: {  	_ =	shalt  }
0x67: {  	_ =	shalt  }
0x68: {  	_ =	shalt  }
0x69: {  	_ =	shalt  }
0x6a: {  	_ =	shalt  }
0x6b: {  	_ =	shalt  }
0x6c: {  	_ =	shalt  }
0x6d: {  	_ =	shalt  }
0x6e: {  	_ =	shalt  }
0x6f: {  	_ =	shalt  }
0x70: {  	_ =	shalt  }
0x71: {  	_ =	shalt  }
0x72: {  	_ =	shalt  }
0x73: {  	_ =	shalt  }
0x74: {  	_ =	shalt  }
0x75: {  	_ =	shalt  }
0x76: {  	_ =	shalt  }
0x77: {  	_ =	shalt  }
0x78: {  	_ =	shalt  }
0x79: {  	_ =	shalt  }
0x7a: {  	_ =	shalt  }
0x7b: {  	_ =	shalt  }
0x7c: {  	_ =	shalt  }
0x7d: {  	_ =	shalt  }
0x7e: {  	_ =	shalt  }
0x7f: {  	_ =	shalt  }
0x80: {  	_ =	shalt  }
0x81: {  	_ =	shalt  }
0x82: {  	_ =	shalt  }
0x83: {  	_ =	shalt  }
0x84: {  	_ =	shalt  }
0x85: {  	_ =	shalt  }
0x86: {  	_ =	shalt  }
0x87: {  	_ =	shalt  }
.Lfunc_end0:
.L_simem_size_0:
called_computation.1_lowered:
.L_overlay_start_0:
0x88: {  	s2 =	sld [smem:$0x3FD9]  }
0x89: {  	s3 =	sld [smem:$0x3FFE];
	_ =	sdelay $0x1  }
0x8a: {  	s1 =	srdreg.scid  }
0x8b: {  	s0 =	sand.u32 $0x1, s1  }
0x8c: {  	s17 =	sshll.u32 s0, $0xA;
	s2 =	sadd.s32 s3, s2  }
0x8d: {  	s2 =	sadd.s32 s2, s17  }
0x8e: {  	[smem:$0x3FC3] =	sst s2  }
0x8f: {  	_ = 	snop  }
0x90: {  	s2 =	sld [smem:$0x3FD0];
	(tm) =	ssettm $0x1  }
0x91: {  	s18 =	sld [smem:$0x3FFB];
	_ =	sdelay $0x3  }
0x92: {  	_ =	strace s18  }
0x93: {  	s3 =	sld [smem:$0x3FFC];
	_ =	sdelay $0x3  }
0x94: {  	_ =	strace s3  }
0x95: {  	s3 =	sld [smem:$0x3FFD];
	_ =	sdelay $0x3  }
0x96: {  	_ =	strace s3  }
0x97: {  	_ =	strace $0x8FFFFFFF  }
0x98: {  	s19 =	sld [smem:$0x3FDB];
	_ =	sdelay $0x1  }
0x99: {  	s4 =	simm.s32 $_scs_section_size  }
0x9a: {  	s5 =	simm.s32 $_size__tile_overlayer_lowered;
	s6 =	simm.s32 $_tile_overlayer_lowered  }
0x9b: {  	s22 =	simm.s32 $0x1BFF;
	s21 =	sshll.u32 s6, $0x1;
	s3 =	sadd.s32 s4, s19  }
0x9c: {  	s7 =	simm.s32 $0x0;
	s20 =	sshll.u32 s5, $0x1;
	s5 =	sadd.s32 s21, s3  }
0x9d: {  	[timem:s7], [sflag:s22] =	dma.local [hbm:s5], s20  }
0x9e: {  	_ =	swait.ge [sflag:s22], s20  }
0x9f: {  	s4 =	ssub.s32 $0x0, s20;
	[sflag:s22] =	ssyncset.done $0x0  }
0xa0: {  	[sflag:s22] =	ssyncadd.s32 s4;
	_ =	sdelay $0x1  }
0xa1: {  	s23 =	simm.s32 $0x1B8B  }
0xa2: {  	_ =	swait.ge [sflag:s23], $0x1  }
0xa3: {  	[sflag:s23] =	ssyncset.done $0x0  }
0xa4: {  	s25 =	simm.s32 $0x1B8E;
	s24 =	sld [smem:$0x3FFE];
	[sflag:s23] =	ssyncadd.s32 $0xFFFFFFFF  }
0xa5: {  	s26 =	simm.s32 $execute0_lowered;
	[smem:$0x3FD2] =	sst s25  }
0xa6: {  	s5 =	sshll.u32 s26, $0x1;
	_ =	strace $0x80000049;
	[dreg:$0x1] =	wrdreg $0xFFFFFFFF  }
0xa7: {  	s28 =	simm.s32 $_size_execute0_lowered;
	s3 =	sadd.s32 s3, s5;
	[dreg:$0x0] =	wrdreg $0x0  }
0xa8: {  	s5 =	sshll.u32 s28, $0x1;
	[dreg:$0x2] =	wrdreg s3  }
0xa9: {  	[dreg:$0x3] =	wrdreg s5  }
0xaa: {  	[dreg:$0x4] =	wrdreg $0xC0  }
0xab: {  	_ =	task [dreg:s7], $0x5FFFF  }
0xac: {  	[dreg:$0x1] =	wrdreg $0xFFFFFFFF  }
0xad: {  	[dreg:$0x0] =	wrdreg $0x60  }
0xae: {  	[dreg:$0x2] =	wrdreg s24  }
0xaf: {  	[dreg:$0x3] =	wrdreg s2  }
0xb0: {  	[dreg:$0x4] =	wrdreg $0x9  }
0xb1: {  	_ =	task.clear_ibuf [dreg:s7], $0x5FFFF;
	_ =	strace $0x90000049  }
0xb2: {  	s29 =	simm.s32 $0x9;
	_ =	strace $0x8000004B  }
0xb3: {  	_ =	swait.ge [sflag:s29], $0x1  }
0xb4: {  	[sflag:s29] =	ssyncadd.s32 $0xFFFFFFFF  }
0xb5: {  	_ =	strace $0x9000004B  }
0xb6: {  	_ =	sfence  }
0xb7: {  	s30 =	sld [smem:$0x0];
	_ =	sdelay $0x2  }
0xb8: {  	s31 =	sshll.u32 s1, $0xD;
	s1 =	sshrl.u32 s1, $0x2  }
0xb9: {  	s3 =	sand.u32 $0x4000, s31;
	s1 =	sadd.s32 s1, s30  }
0xba: {  	s0 =	sor.u32 s3, s0;
	s1 =	sshll.u32 s1, $0x11  }
0xbb: {  	s0 =	sor.u32 s1, s0  }
0xbc: {  	s0 =	sadd.s32 $0x8F2B, s0  }
0xbd: {  	[sflag:s0] =	ssyncadd.remote.s32 $0x1  }
0xbe: {  	_ =	sfence.sel $0xFFFF  }
0xbf: {  	[dreg:$0x0] =	wrdreg $0xFFFFFFFF;
	(pc) =	sbr.abs _section_cstart, $3  }
0xc0: {  	[dreg:$0x1] =	wrdreg $0xFFFFFFFF  }
0xc1: {  	_ =	task.clear_ibuf [dreg:s7], $0x2FFFF;
	_ =	strace $0x9FFFFFFF  }
0xc2: {  	(tm) =	ssettm $0x7FFFFFFF  }
0xc3: {  	_ =	shalt  }
tec
execute0_lowered:
.L_overlay_start_1:
0x0: {  	(tag) =	ssettag $0x1  }
0x1: {  	s0 =	rddreg [dreg:$0x0]  }
0x2: {  	s1 =	rddreg [dreg:$0x1];
	s3 =	srdreg.scid  }
0x3: {  	s4 =	stileid.u32;
	s2 =	simm.s32 $0x0;
	s28 =	simm.s32 $0x4080  }
0x4: {  	s13 =	simm.s32 $0x3;
	s3 =	sand.u32 $0x1, s3;
	s4 =	sshll.u32 s4, $0x1  }
0x5: {  	s29 =	simm.s32 $0x0;
	[smem:$0x7FF] =	sst s2;
	s4 =	sor.u32 s3, s4  }
0x6: {  	s5 =	ssub.s32 $0x2, s3;
	_ =	strace $0x8000004A;
	s9 =	sshll.u32 s4, $0xB  }
0x7: {  	s6 =	sshll.u32 s4, $0x4;
	s4 =	sshll.u32 s4, $0xD;
	s24 =	sadd.s32 s0, s9  }
0x8: {  	s6 =	sadd.s32 s6, s0;
	s1 =	sadd.s32 s1, s4;
	[dreg:$0x5] =	wrdreg s24  }
0x9: {  	s3 =	sadd.s32 $0x180800, s0;
	s23 =	sadd.s32 $0x180600, s6;
	[dreg:$0x4] =	wrdreg s1  }
0xa: {  	s7 =	sshrl.u32 s5, $0x1;
	s25 =	sadd.s32 $0x800, s1;
	[dreg:$0x3] =	wrdreg s23  }
0xb: {  	s8 =	ssub.s32 s5, s7;
	s26 =	sadd.s32 $0x1000, s1;
	[dreg:$0x6] =	wrdreg s25  }
0xc: {  	v2 =	vlaneseq.u32;
	s5 =	sadd.s32 $0x180900, s0;
	s30 =	sadd.s32 $0x1800, s1;
	[dreg:$0x7] =	wrdreg s26  }
0xd: {  	vm0 =	vmmov $0xffff;
	v1 =	vshrl.u32 v2, $0x3;
	s9 =	sadd.s32 $0x180B00, s0;
	s31 =	smax.u32 s8, $0x1;
	[dreg:$0x8] =	wrdreg s30  }
0xe: {  	v0 =	vand.u32 $0x7, v2;
	v2 =	vor.u32 $0x8, v2;
	v1 =	vmul.u32 $0x8, v1;
	s6 =	sadd.s32 $0x180A00, s0;
	s1 =	simm.s32 $0x2;
	[dreg:$0x9] =	wrdreg s31  }
.LBB2_1:
0xf: {  	s0 =	rddreg [dreg:$0x3]  }
0x10: {  	[tilespmem:s2], [sflag:$0x1] =	stream.linear.gather [hbm4b:s0+s2], $0x80, $0x38;
	[tilespmem:$0x1C080] =	vst v63  }
0x11: {  	s17 =	rddreg [dreg:$0x5];
	s4 =	simm.s32 $0x80;
	s18 =	simm.s32 $0x1  }
0x12: {  	[tilespmem:s4], [sflag:$0x1] =	stream.linear.gather [hbm4b:s17+s2], $0x4000, $0x38;
	[tilespmem:$0x1C080] =	vst v63  }
0x13: {  	_ =	swait.ge [sflag:s18], $0x80  }
0x14: {  	[sflag:s18] =	ssyncset.done $0x0  }
0x15: {  	[sflag:s18] =	ssyncadd.s32 $0xFFFFFF80  }
0x16: {  	_ =	swait.ge [sflag:s18], $0x4000  }
0x17: {  	[sflag:s18] =	ssyncset.done $0x0  }
0x18: {  	[sflag:s18] =	ssyncadd.s32 $0xFFFFC000  }
0x19: {  	v3 =	vld [tilespmem:$0x0];
	_ =	sdelay $0x4  }
0x1a: {  	v4 =	vshll.u32 v3, $0x3  }
0x1b: {  	v3 =	vand.u32 $0x7, v3;
	v4 =	vand.u32 $0xFFFFFFC0, v4  }
0x1c: {  	v3 =	vor.u32 v3, v4  }
0x1d: {  	v4 =	vperm.xlane v3, v0;
	_ =	sdelay $0x1  }
0x1e: {  	v4 =	vadd.s32 v1, v4;
	_ =	sdelay $0x4  }
0x1f: {  	[tilespmem:s28], [sflag:$0x2] =	stream.indirect_vreg.gather [hbm4b:s3+s2], $0x80, v4, vm0, $0xb8;
	[tilespmem:$0x1C080] =	vst v63  }
0x20: {  	s19 =	simm.s32 $0x4880;
	v3 =	vperm.xlane v3, v2  }
0x21: {  	[tilespmem:s19], [sflag:$0x2] =	stream.indirect_vreg.gather [hbm4b:s5+s2], $0x80, v4, vm0, $0xb8;
	[tilespmem:$0x1C080] =	vst v63  }
0x22: {  	s20 =	simm.s32 $0x5080;
	v3 =	vadd.s32 v1, v3  }
0x23: {  	[tilespmem:s20], [sflag:$0x2] =	stream.indirect_vreg.gather [hbm4b:s6+s2], $0x80, v4, vm0, $0xb8;
	[tilespmem:$0x1C080] =	vst v63  }
0x24: {  	s21 =	simm.s32 $0x5880  }
0x25: {  	[tilespmem:s21], [sflag:$0x2] =	stream.indirect_vreg.gather [hbm4b:s9+s2], $0x80, v4, vm0, $0xb8;
	[tilespmem:$0x1C080] =	vst v63  }
0x26: {  	s22 =	simm.s32 $0x6080  }
0x27: {  	[tilespmem:s22], [sflag:$0x2] =	stream.indirect_vreg.gather [hbm4b:s3+s2], $0x80, v3, vm0, $0xb8;
	[tilespmem:$0x1C080] =	vst v63  }
0x28: {  	s23 =	simm.s32 $0x6880  }
0x29: {  	[tilespmem:s23], [sflag:$0x2] =	stream.indirect_vreg.gather [hbm4b:s5+s2], $0x80, v3, vm0, $0xb8;
	[tilespmem:$0x1C080] =	vst v63  }
0x2a: {  	s24 =	simm.s32 $0x7080  }
0x2b: {  	[tilespmem:s24], [sflag:$0x2] =	stream.indirect_vreg.gather [hbm4b:s6+s2], $0x80, v3, vm0, $0xb8;
	[tilespmem:$0x1C080] =	vst v63  }
0x2c: {  	s25 =	simm.s32 $0x7880  }
0x2d: {  	[tilespmem:s25], [sflag:$0x2] =	stream.indirect_vreg.gather [hbm4b:s9+s2], $0x80, v3, vm0, $0xb8;
	[tilespmem:$0x1C080] =	vst v63  }
0x2e: {  	v3 =	vld [tilespmem:$0x10];
	_ =	sdelay $0x4  }
0x2f: {  	v61 =	vshll.u32 v3, $0x3  }
0x30: {  	v3 =	vand.u32 $0x7, v3;
	v4 =	vand.u32 $0xFFFFFFC0, v61  }
0x31: {  	v3 =	vor.u32 v3, v4  }
0x32: {  	v4 =	vperm.xlane v3, v0;
	_ =	sdelay $0x1  }
0x33: {  	v4 =	vadd.s32 v1, v4;
	_ =	sdelay $0x3  }
0x34: {  	s26 =	simm.s32 $0x8080  }
0x35: {  	[tilespmem:s26], [sflag:$0x2] =	stream.indirect_vreg.gather [hbm4b:s3+s2], $0x80, v4, vm0, $0xb8;
	[tilespmem:$0x1C080] =	vst v63  }
0x36: {  	s28 =	simm.s32 $0x8880;
	v3 =	vperm.xlane v3, v2  }
0x37: {  	[tilespmem:s28], [sflag:$0x2] =	stream.indirect_vreg.gather [hbm4b:s5+s2], $0x80, v4, vm0, $0xb8;
	[tilespmem:$0x1C080] =	vst v63  }
0x38: {  	s31 =	simm.s32 $0x9080;
	v3 =	vadd.s32 v1, v3  }
0x39: {  	[tilespmem:s31], [sflag:$0x2] =	stream.indirect_vreg.gather [hbm4b:s6+s2], $0x80, v4, vm0, $0xb8;
	[tilespmem:$0x1C080] =	vst v63  }
0x3a: {  	s4 =	simm.s32 $0x9880  }
0x3b: {  	[tilespmem:s4], [sflag:$0x2] =	stream.indirect_vreg.gather [hbm4b:s9+s2], $0x80, v4, vm0, $0xb8;
	[tilespmem:$0x1C080] =	vst v63  }
0x3c: {  	s7 =	simm.s32 $0xA080  }
0x3d: {  	[tilespmem:s7], [sflag:$0x2] =	stream.indirect_vreg.gather [hbm4b:s3+s2], $0x80, v3, vm0, $0xb8;
	[tilespmem:$0x1C080] =	vst v63  }
0x3e: {  	s8 =	simm.s32 $0xA880  }
0x3f: {  	[tilespmem:s8], [sflag:$0x2] =	stream.indirect_vreg.gather [hbm4b:s5+s2], $0x80, v3, vm0, $0xb8;
	[tilespmem:$0x1C080] =	vst v63  }
0x40: {  	s10 =	simm.s32 $0xB080  }
0x41: {  	[tilespmem:s10], [sflag:$0x2] =	stream.indirect_vreg.gather [hbm4b:s6+s2], $0x80, v3, vm0, $0xb8;
	[tilespmem:$0x1C080] =	vst v63  }
0x42: {  	s11 =	simm.s32 $0xB880  }
0x43: {  	[tilespmem:s11], [sflag:$0x2] =	stream.indirect_vreg.gather [hbm4b:s9+s2], $0x80, v3, vm0, $0xb8;
	[tilespmem:$0x1C080] =	vst v63  }
0x44: {  	_ =	swait.ge [sflag:s1], $0x8000  }
0x45: {  	[sflag:s1] =	ssyncset.done $0x0  }
0x46: {  	[sflag:s1] =	ssyncadd.s32 $0xFFFF8000  }
0x47: {  	v3 =	vld [tilespmem:$0x20];
	_ =	sdelay $0x4  }
0x48: {  	v62 =	vshll.u32 v3, $0x3  }
0x49: {  	v3 =	vand.u32 $0x7, v3;
	v4 =	vand.u32 $0xFFFFFFC0, v62  }
0x4a: {  	v3 =	vor.u32 v3, v4  }
0x4b: {  	v4 =	vperm.xlane v3, v0;
	_ =	sdelay $0x1  }
0x4c: {  	v4 =	vadd.s32 v1, v4;
	_ =	sdelay $0x3  }
0x4d: {  	s12 =	simm.s32 $0xC080  }
0x4e: {  	[tilespmem:s12], [sflag:$0x2] =	stream.indirect_vreg.gather [hbm4b:s3+s2], $0x80, v4, vm0, $0xb8;
	[tilespmem:$0x1C080] =	vst v63  }
0x4f: {  	s14 =	simm.s32 $0xC880;
	v3 =	vperm.xlane v3, v2  }
0x50: {  	[tilespmem:s14], [sflag:$0x2] =	stream.indirect_vreg.gather [hbm4b:s5+s2], $0x80, v4, vm0, $0xb8;
	[tilespmem:$0x1C080] =	vst v63  }
0x51: {  	s15 =	simm.s32 $0xD080;
	v3 =	vadd.s32 v1, v3  }
0x52: {  	[tilespmem:s15], [sflag:$0x2] =	stream.indirect_vreg.gather [hbm4b:s6+s2], $0x80, v4, vm0, $0xb8;
	[tilespmem:$0x1C080] =	vst v63  }
0x53: {  	s16 =	simm.s32 $0xD880  }
0x54: {  	[tilespmem:s16], [sflag:$0x2] =	stream.indirect_vreg.gather [hbm4b:s9+s2], $0x80, v4, vm0, $0xb8;
	[tilespmem:$0x1C080] =	vst v63  }
0x55: {  	s17 =	simm.s32 $0xE080  }
0x56: {  	[tilespmem:s17], [sflag:$0x2] =	stream.indirect_vreg.gather [hbm4b:s3+s2], $0x80, v3, vm0, $0xb8;
	[tilespmem:$0x1C080] =	vst v63  }
0x57: {  	s18 =	simm.s32 $0xE880  }
0x58: {  	[tilespmem:s18], [sflag:$0x2] =	stream.indirect_vreg.gather [hbm4b:s5+s2], $0x80, v3, vm0, $0xb8;
	[tilespmem:$0x1C080] =	vst v63  }
0x59: {  	s19 =	simm.s32 $0xF080  }
0x5a: {  	[tilespmem:s19], [sflag:$0x2] =	stream.indirect_vreg.gather [hbm4b:s6+s2], $0x80, v3, vm0, $0xb8;
	[tilespmem:$0x1C080] =	vst v63  }
0x5b: {  	s20 =	simm.s32 $0xF880  }
0x5c: {  	[tilespmem:s20], [sflag:$0x2] =	stream.indirect_vreg.gather [hbm4b:s9+s2], $0x80, v3, vm0, $0xb8;
	[tilespmem:$0x1C080] =	vst v63  }
0x5d: {  	v3 =	vld [tilespmem:$0x30];
	_ =	sdelay $0x4  }
0x5e: {  	v63 =	vshll.u32 v3, $0x3  }
0x5f: {  	v3 =	vand.u32 $0x7, v3;
	v4 =	vand.u32 $0xFFFFFFC0, v63  }
0x60: {  	v3 =	vor.u32 v3, v4  }
0x61: {  	v4 =	vperm.xlane v3, v0;
	_ =	sdelay $0x1  }
0x62: {  	v4 =	vadd.s32 v1, v4;
	_ =	sdelay $0x3  }
0x63: {  	s21 =	simm.s32 $0x10080  }
0x64: {  	[tilespmem:s21], [sflag:$0x2] =	stream.indirect_vreg.gather [hbm4b:s3+s2], $0x80, v4, vm0, $0xb8;
	[tilespmem:$0x1C080] =	vst v63  }
0x65: {  	s22 =	simm.s32 $0x10880;
	v3 =	vperm.xlane v3, v2  }
0x66: {  	[tilespmem:s22], [sflag:$0x2] =	stream.indirect_vreg.gather [hbm4b:s5+s2], $0x80, v4, vm0, $0xb8;
	[tilespmem:$0x1C080] =	vst v63  }
0x67: {  	s23 =	simm.s32 $0x11080;
	v3 =	vadd.s32 v1, v3  }
0x68: {  	[tilespmem:s23], [sflag:$0x2] =	stream.indirect_vreg.gather [hbm4b:s6+s2], $0x80, v4, vm0, $0xb8;
	[tilespmem:$0x1C080] =	vst v63  }
0x69: {  	s24 =	simm.s32 $0x11880  }
0x6a: {  	[tilespmem:s24], [sflag:$0x2] =	stream.indirect_vreg.gather [hbm4b:s9+s2], $0x80, v4, vm0, $0xb8;
	[tilespmem:$0x1C080] =	vst v63  }
0x6b: {  	s25 =	simm.s32 $0x12080  }
0x6c: {  	[tilespmem:s25], [sflag:$0x2] =	stream.indirect_vreg.gather [hbm4b:s3+s2], $0x80, v3, vm0, $0xb8;
	[tilespmem:$0x1C080] =	vst v63  }
0x6d: {  	s26 =	simm.s32 $0x12880  }
0x6e: {  	[tilespmem:s26], [sflag:$0x2] =	stream.indirect_vreg.gather [hbm4b:s5+s2], $0x80, v3, vm0, $0xb8;
	[tilespmem:$0x1C080] =	vst v63  }
0x6f: {  	s28 =	simm.s32 $0x13080  }
0x70: {  	[tilespmem:s28], [sflag:$0x2] =	stream.indirect_vreg.gather [hbm4b:s6+s2], $0x80, v3, vm0, $0xb8;
	[tilespmem:$0x1C080] =	vst v63  }
0x71: {  	s30 =	simm.s32 $0x0;
	s31 =	simm.s32 $0x13880  }
0x72: {  	[tilespmem:s31], [sflag:$0x2] =	stream.indirect_vreg.gather [hbm4b:s9+s2], $0x80, v3, vm0, $0xb8;
	[tilespmem:$0x1C080] =	vst v63  }
.LBB2_2:
0x73: {  	s4 =	sshll.u32 s30, $0xA  }
0x74: {  	s0 =	sshll.u32 s30, $0x8;
	s8 =	sshll.u32 s30, $0xB;
	s14 =	simm.s32 $0x0  }
0x75: {  	s10 =	sshrl.u32 s4, $0x2;
	s11 =	sor.u32 $0x80, s0;
	s8 =	sand.u32 $0x6000, s8  }
0x76: {  	s20 =	sand.u32 $0x1C00, s14;
	s0 =	sand.u32 $0x300, s0;
	s31 =	sadd.s32 $0x4080, s8  }
0x77: {  	s16 =	sand.u32 $0x3FFFFF80, s11;
	s8 =	sand.u32 $0x40, s14;
	s17 =	sadd.s32 s20, s31  }
0x78: {  	v3 =	vld [tilespmem:s10+$0x80];
	s14 =	sand.u32 $0x380, s11;
	s11 =	sor.u32 $0x30, s8;
	s28 =	sadd.s32 s0, s17  }
0x79: {  	v4 =	vld [tilespmem:s16+$0x80];
	s18 =	sadd.s32 s14, s17;
	s12 =	sadd.s32 s11, s28  }
0x7a: {  	s7 =	sshll.u32 s30, $0x7;
	s22 =	simm.s32 $0x200;
	s15 =	sadd.s32 s11, s18;
	v5 =	vld [tilespmem:s12+$0x0]  }
0x7b: {  	s4 =	sand.u32 $0x2000, s4;
	s16 =	sand.u32 $0x380, s7;
	s19 =	sadd.s32 s8, s28;
	v6 =	vld [tilespmem:s15+$0x0]  }
0x7c: {  	s26 =	sor.u32 $0x10, s8;
	s4 =	sor.u32 s16, s4;
	s17 =	sadd.s32 s8, s18;
	v7 =	vld [tilespmem:s19+$0x0]  }
0x7d: {  	s16 =	sadd.s32 $0x14080, s4;
	s21 =	sadd.s32 s26, s28;
	s23 =	sadd.s32 s26, s18;
	v8 =	vld [tilespmem:s17+$0x0]  }
0x7e: {  	s4 =	simm.s32 $0x40;
	s12 =	sor.u32 $0x20, s8;
	v9 =	vld [tilespmem:s21+$0x0];
	s21 =	sand.u32 $0x1C00, s22  }
0x7f: {  	v10 =	vld [tilespmem:s23+$0x0];
	s17 =	sand.u32 $0x40, s4;
	s10 =	sadd.s32 s12, s28;
	s22 =	sadd.s32 s21, s31  }
0x80: {  	s23 =	sadd.s32 s12, s18;
	s18 =	sor.u32 $0x30, s17;
	v11 =	vld [tilespmem:s10+$0x0];
	s10 =	sadd.s32 s0, s22  }
0x81: {  	s19 =	simm.s32 $0x4;
	v13 =	vld [tilespmem:s23+$0x0];
	s23 =	sadd.s32 s14, s22;
	s24 =	sadd.s32 s18, s10;
	v12 =	vmul.f32 v5, v3;
	v6 =	vmul.f32 v6, v4  }
0x82: {  	s28 =	sadd.s32 s20, s16;
	s20 =	sor.u32 $0x10, s17;
	s25 =	sadd.s32 s18, s23;
	v7 =	vmul.f32 v7, v3;
	v8 =	vmul.f32 v8, v4;
	v5 =	vld [tilespmem:s24+$0x0]  }
0x83: {  	s11 =	sadd.s32 s11, s28;
	s22 =	sor.u32 $0x20, s17;
	s24 =	sadd.s32 s17, s10;
	v12 =	vadd.f32 v6, v12;
	v6 =	vld [tilespmem:s25+$0x0]  }
0x84: {  	s7 =	sadd.s32 s17, s23;
	s15 =	sadd.s32 s20, s10;
	v9 =	vmul.f32 v9, v3;
	v15 =	vmul.f32 v10, v4;
	v14 =	vadd.f32 v8, v7;
	v7 =	vld [tilespmem:s24+$0x0];
	s25 =	sadd.s32 s20, s23  }
0x85: {  	s24 =	sadd.s32 s22, s10;
	v8 =	vld [tilespmem:s7+$0x0];
	s23 =	sadd.s32 s22, s23;
	s10 =	sadd.s32 s8, s28;
	[tilespmem:s11+$0x0] =	vst v12  }
0x86: {  	v10 =	vmul.f32 v11, v3;
	v11 =	vadd.f32 v15, v9;
	v9 =	vld [tilespmem:s15+$0x0];
	s8 =	simm.s32 $0x400;
	s11 =	sadd.s32 s26, s28;
	v12 =	vmul.f32 v13, v4;
	[tilespmem:s10+$0x0] =	vst v14;
	s10 =	sadd.s32 s12, s28  }
.LBB2_3:
0x87: {  	s7 =	sand.u32 $0x1C00, s8  }
0x88: {  	v13 =	vld [tilespmem:s25+$0x0];
	s4 =	sadd.s32 $0x40, s4;
	[tilespmem:s11+$0x0] =	vst v11;
	s11 =	smov.u32 s17;
	s12 =	smov.u32 s18  }
0x89: {  	v10 =	vadd.f32 v12, v10;
	s15 =	smov.u32 s20;
	s26 =	smov.u32 s22;
	s19 =	sadd.s32 $0x4, s19  }
0x8a: {  	v5 =	vmul.f32 v5, v3;
	s21 =	sadd.s32 s21, s16;
	s17 =	sand.u32 $0x40, s4;
	s20 =	sadd.s32 s7, s31;
	v11 =	vld [tilespmem:s24+$0x0];
	v6 =	vmul.f32 v6, v4  }
0x8b: {  	p0 =	slt.u32 s19, $0x3C;
	s24 =	sadd.s32 s0, s20;
	s18 =	sor.u32 $0x30, s17;
	v7 =	vmul.f32 v7, v3;
	v12 =	vld [tilespmem:s23+$0x0];
	[tilespmem:s10+$0x0] =	vst v10  }
0x8c: {  	s12 =	sadd.s32 s12, s21;
	s10 =	sadd.s32 s14, s20;
	s22 =	sadd.s32 s18, s24;
	v8 =	vmul.f32 v8, v4;
	v10 =	vadd.f32 v6, v5  }
.Ltmp0:
0x8d: {  	s20 =	sor.u32 $0x10, s17;
	s23 =	sadd.s32 s18, s10;
	v5 =	vld [tilespmem:s22+$0x0];
	v9 =	vmul.f32 v9, v3;
	(pc) =	sbr.rel @p0 .LBB2_3-.Ltmp0, $4  }
0x8e: {  	s25 =	sadd.s32 s17, s24;
	s28 =	sadd.s32 s17, s10;
	s22 =	sor.u32 $0x20, s17;
	v6 =	vld [tilespmem:s23+$0x0];
	v14 =	vadd.f32 v8, v7;
	v13 =	vmul.f32 v13, v4;
	[tilespmem:s12+$0x0] =	vst v10  }
0x8f: {  	s12 =	sadd.s32 s20, s24;
	s24 =	sadd.s32 s22, s24;
	v7 =	vld [tilespmem:s25+$0x0];
	s25 =	sadd.s32 s20, s10;
	v10 =	vmul.f32 v11, v3  }
0x90: {  	s23 =	sadd.s32 s22, s10;
	s10 =	sadd.s32 s11, s21;
	s11 =	sadd.s32 s15, s21;
	v8 =	vld [tilespmem:s28+$0x0];
	v11 =	vadd.f32 v13, v9;
	v12 =	vmul.f32 v12, v4  }
0x91: {  	s8 =	sadd.s32 $0x200, s8;
	v9 =	vld [tilespmem:s12+$0x0];
	[tilespmem:s10+$0x0] =	vst v14;
	s10 =	sadd.s32 s26, s21;
	s21 =	smov.u32 s7  }
0x92: {  	v13 =	vld [tilespmem:s25+$0x0]  }
0x93: {  	v14 =	vld [tilespmem:s24+$0x0]  }
0x94: {  	v15 =	vld [tilespmem:s23+$0x0];
	_ =	sdelay $0x1  }
0x95: {  	v5 =	vmul.f32 v5, v3;
	v6 =	vmul.f32 v6, v4  }
0x96: {  	v10 =	vadd.f32 v12, v10;
	s30 =	sadd.s32 $0x1, s30;
	v7 =	vmul.f32 v7, v3;
	v8 =	vmul.f32 v8, v4  }
0x97: {  	[tilespmem:s11+$0x0] =	vst v11;
	s0 =	sadd.s32 s21, s16;
	p0 =	sne.s32 s30, $0x10;
	v5 =	vadd.f32 v6, v5;
	v60 =	vmul.f32 v9, v3;
	v61 =	vmul.f32 v13, v4  }
.Ltmp1:
0x98: {  	s4 =	sadd.s32 s18, s0;
	[tilespmem:s10+$0x0] =	vst v10;
	v7 =	vadd.f32 v8, v7;
	v3 =	vmul.f32 v14, v3;
	v62 =	vmul.f32 v15, v4;
	(pc) =	sbr.rel @p0 .LBB2_2-.Ltmp1, $4  }
0x99: {  	s31 =	sadd.s32 s17, s0;
	[tilespmem:s4+$0x0] =	vst v5;
	v63 =	vadd.f32 v61, v60  }
0x9a: {  	s7 =	sadd.s32 s20, s0;
	[tilespmem:s31+$0x0] =	vst v7;
	v3 =	vadd.f32 v62, v3  }
0x9b: {  	s0 =	sadd.s32 s22, s0;
	[tilespmem:s7+$0x0] =	vst v63  }
0x9c: {  	[tilespmem:s0+$0x0] =	vst v3  }
0x9d: {  	s30 =	simm.s32 $0x0;
	s0 =	rddreg [dreg:$0x4];
	s4 =	simm.s32 $0x14080  }
0x9e: {  	[hbm4b:s0+s30] =	stream.linear.scatter [tilespmem:s4], [sflag:$0x3], $0x4000, $0x38;
	[tilespmem:$0x1C080] =	vst v63  }
0x9f: {  	_ =	swait.ge [sflag:s1], $0x8000  }
0xa0: {  	[sflag:s1] =	ssyncset.done $0x0  }
0xa1: {  	[sflag:s1] =	ssyncadd.s32 $0xFFFF8000  }
0xa2: {  	v3 =	vld [tilespmem:$0x40];
	_ =	sdelay $0x4  }
0xa3: {  	v4 =	vshll.u32 v3, $0x3  }
0xa4: {  	v3 =	vand.u32 $0x7, v3;
	v4 =	vand.u32 $0xFFFFFFC0, v4  }
0xa5: {  	v3 =	vor.u32 v3, v4  }
0xa6: {  	v4 =	vperm.xlane v3, v0;
	_ =	sdelay $0x1  }
0xa7: {  	v4 =	vadd.s32 v1, v4;
	_ =	sdelay $0x3  }
0xa8: {  	s28 =	simm.s32 $0x4080  }
0xa9: {  	[tilespmem:s28], [sflag:$0x2] =	stream.indirect_vreg.gather [hbm4b:s3+s30], $0x80, v4, vm0, $0xb8;
	[tilespmem:$0x1C080] =	vst v63  }
0xaa: {  	s11 =	simm.s32 $0x4880;
	v3 =	vperm.xlane v3, v2  }
0xab: {  	[tilespmem:s11], [sflag:$0x2] =	stream.indirect_vreg.gather [hbm4b:s5+s30], $0x80, v4, vm0, $0xb8;
	[tilespmem:$0x1C080] =	vst v63  }
0xac: {  	s12 =	simm.s32 $0x5080;
	v3 =	vadd.s32 v1, v3  }
0xad: {  	[tilespmem:s12], [sflag:$0x2] =	stream.indirect_vreg.gather [hbm4b:s6+s30], $0x80, v4, vm0, $0xb8;
	[tilespmem:$0x1C080] =	vst v63  }
0xae: {  	s14 =	simm.s32 $0x5880  }
0xaf: {  	[tilespmem:s14], [sflag:$0x2] =	stream.indirect_vreg.gather [hbm4b:s9+s30], $0x80, v4, vm0, $0xb8;
	[tilespmem:$0x1C080] =	vst v63  }
0xb0: {  	s15 =	simm.s32 $0x6080  }
0xb1: {  	[tilespmem:s15], [sflag:$0x2] =	stream.indirect_vreg.gather [hbm4b:s3+s30], $0x80, v3, vm0, $0xb8;
	[tilespmem:$0x1C080] =	vst v63  }
0xb2: {  	s16 =	simm.s32 $0x6880  }
0xb3: {  	[tilespmem:s16], [sflag:$0x2] =	stream.indirect_vreg.gather [hbm4b:s5+s30], $0x80, v3, vm0, $0xb8;
	[tilespmem:$0x1C080] =	vst v63  }
0xb4: {  	s17 =	simm.s32 $0x7080  }
0xb5: {  	[tilespmem:s17], [sflag:$0x2] =	stream.indirect_vreg.gather [hbm4b:s6+s30], $0x80, v3, vm0, $0xb8;
	[tilespmem:$0x1C080] =	vst v63  }
0xb6: {  	s18 =	simm.s32 $0x7880  }
0xb7: {  	[tilespmem:s18], [sflag:$0x2] =	stream.indirect_vreg.gather [hbm4b:s9+s30], $0x80, v3, vm0, $0xb8;
	[tilespmem:$0x1C080] =	vst v63  }
0xb8: {  	v3 =	vld [tilespmem:$0x50];
	_ =	sdelay $0x4  }
0xb9: {  	v63 =	vshll.u32 v3, $0x3  }
0xba: {  	v3 =	vand.u32 $0x7, v3;
	v4 =	vand.u32 $0xFFFFFFC0, v63  }
0xbb: {  	v3 =	vor.u32 v3, v4  }
0xbc: {  	v4 =	vperm.xlane v3, v0;
	_ =	sdelay $0x1  }
0xbd: {  	v4 =	vadd.s32 v1, v4;
	_ =	sdelay $0x3  }
0xbe: {  	s19 =	simm.s32 $0x8080  }
0xbf: {  	[tilespmem:s19], [sflag:$0x2] =	stream.indirect_vreg.gather [hbm4b:s3+s30], $0x80, v4, vm0, $0xb8;
	[tilespmem:$0x1C080] =	vst v63  }
0xc0: {  	s20 =	simm.s32 $0x8880;
	v3 =	vperm.xlane v3, v2  }
0xc1: {  	[tilespmem:s20], [sflag:$0x2] =	stream.indirect_vreg.gather [hbm4b:s5+s30], $0x80, v4, vm0, $0xb8;
	[tilespmem:$0x1C080] =	vst v63  }
0xc2: {  	s21 =	simm.s32 $0x9080;
	v3 =	vadd.s32 v1, v3  }
0xc3: {  	[tilespmem:s21], [sflag:$0x2] =	stream.indirect_vreg.gather [hbm4b:s6+s30], $0x80, v4, vm0, $0xb8;
	[tilespmem:$0x1C080] =	vst v63  }
0xc4: {  	s22 =	simm.s32 $0x9880  }
0xc5: {  	[tilespmem:s22], [sflag:$0x2] =	stream.indirect_vreg.gather [hbm4b:s9+s30], $0x80, v4, vm0, $0xb8;
	[tilespmem:$0x1C080] =	vst v63  }
0xc6: {  	s23 =	simm.s32 $0xA080  }
0xc7: {  	[tilespmem:s23], [sflag:$0x2] =	stream.indirect_vreg.gather [hbm4b:s3+s30], $0x80, v3, vm0, $0xb8;
	[tilespmem:$0x1C080] =	vst v63  }
0xc8: {  	s24 =	simm.s32 $0xA880  }
0xc9: {  	[tilespmem:s24], [sflag:$0x2] =	stream.indirect_vreg.gather [hbm4b:s5+s30], $0x80, v3, vm0, $0xb8;
	[tilespmem:$0x1C080] =	vst v63  }
0xca: {  	s25 =	simm.s32 $0xB080  }
0xcb: {  	[tilespmem:s25], [sflag:$0x2] =	stream.indirect_vreg.gather [hbm4b:s6+s30], $0x80, v3, vm0, $0xb8;
	[tilespmem:$0x1C080] =	vst v63  }
0xcc: {  	s26 =	simm.s32 $0xB880;
	s31 =	simm.s32 $0x0  }
0xcd: {  	[tilespmem:s26], [sflag:$0x2] =	stream.indirect_vreg.gather [hbm4b:s9+s30], $0x80, v3, vm0, $0xb8;
	[tilespmem:$0x1C080] =	vst v63  }
.LBB2_6:
0xce: {  	s0 =	sshll.u32 s31, $0x8;
	s4 =	sshll.u32 s31, $0xB  }
0xcf: {  	s4 =	sand.u32 $0x6000, s4;
	s0 =	sand.u32 $0x300, s0  }
0xd0: {  	s7 =	sshll.u32 s31, $0xA;
	s8 =	sand.u32 $0x40, s30;
	s0 =	sor.u32 s0, s4  }
0xd1: {  	s11 =	sand.u32 $0x1C00, s30;
	s10 =	sshrl.u32 s7, $0x2;
	s0 =	sadd.s32 $0xC080, s0  }
0xd2: {  	s12 =	sor.u32 $0x30, s8;
	v3 =	vld [tilespmem:s10+$0x1080];
	s19 =	sadd.s32 s11, s0  }
0xd3: {  	v4 =	vld [tilespmem:s10+$0x1100];
	s14 =	sadd.s32 s12, s19  }
0xd4: {  	s15 =	sor.u32 $0x10, s8;
	s25 =	sadd.s32 s8, s19;
	v5 =	vld [tilespmem:s14+$0x0]  }
0xd5: {  	s21 =	sor.u32 $0x20, s8;
	s26 =	sadd.s32 s15, s19;
	v10 =	vld [tilespmem:s25+$0x0]  }
0xd6: {  	s20 =	sadd.s32 $0x80, s19;
	s4 =	sadd.s32 s21, s19;
	v11 =	vld [tilespmem:s26+$0x0]  }
0xd7: {  	s22 =	sadd.s32 s12, s20;
	v12 =	vld [tilespmem:s4+$0x0]  }
0xd8: {  	s24 =	sshll.u32 s31, $0x7;
	s17 =	simm.s32 $0x200;
	s16 =	sadd.s32 s8, s20;
	v6 =	vld [tilespmem:s22+$0x0]  }
0xd9: {  	s18 =	simm.s32 $0x40;
	s7 =	sand.u32 $0x2000, s7;
	s23 =	sadd.s32 s15, s20;
	v7 =	vld [tilespmem:s16+$0x0]  }
0xda: {  	s10 =	sadd.s32 s21, s20;
	s14 =	sand.u32 $0x40, s18;
	s20 =	sand.u32 $0x1C00, s17;
	v8 =	vld [tilespmem:s23+$0x0]  }
0xdb: {  	s19 =	sand.u32 $0x380, s24;
	v9 =	vld [tilespmem:s10+$0x0];
	s23 =	sadd.s32 s20, s0;
	s18 =	sor.u32 $0x30, s14  }
0xdc: {  	s22 =	sor.u32 s19, s7;
	s7 =	sadd.s32 $0x80, s23;
	s24 =	sadd.s32 s18, s23  }
0xdd: {  	s16 =	simm.s32 $0x4;
	s4 =	sadd.s32 $0x18080, s22;
	s25 =	sadd.s32 s18, s7;
	v13 =	vmul.f32 v5, v3;
	v5 =	vld [tilespmem:s24+$0x0];
	v14 =	vmul.f32 v6, v4  }
0xde: {  	s17 =	sor.u32 $0x10, s14;
	s11 =	sadd.s32 s11, s4;
	s22 =	sadd.s32 s14, s7;
	v10 =	vmul.f32 v10, v3;
	v15 =	vmul.f32 v7, v4;
	v6 =	vld [tilespmem:s25+$0x0]  }
0xdf: {  	s19 =	sor.u32 $0x20, s14;
	s26 =	sadd.s32 s12, s11;
	s24 =	sadd.s32 s17, s7;
	v11 =	vmul.f32 v11, v3;
	v12 =	vmul.f32 v12, v3;
	v7 =	vld [tilespmem:s22+$0x0];
	v13 =	vadd.f32 v14, v13  }
0xe0: {  	s10 =	sadd.s32 s15, s11;
	s7 =	sadd.s32 s19, s7;
	v16 =	vmul.f32 v8, v4;
	s25 =	sadd.s32 s14, s23;
	v8 =	vld [tilespmem:s24+$0x0];
	v14 =	vmul.f32 v9, v4;
	v15 =	vadd.f32 v15, v10  }
0xe1: {  	s22 =	sadd.s32 s17, s23;
	s23 =	sadd.s32 s19, s23;
	v9 =	vld [tilespmem:s7+$0x0];
	[tilespmem:s26+$0x0] =	vst v13;
	s26 =	sadd.s32 s8, s11  }
0xe2: {  	s24 =	sadd.s32 s21, s11;
	s21 =	simm.s32 $0x80;
	v11 =	vadd.f32 v16, v11;
	v10 =	vld [tilespmem:s25+$0x0];
	s8 =	simm.s32 $0x400;
	v12 =	vadd.f32 v14, v12;
	[tilespmem:s26+$0x0] =	vst v15  }
.LBB2_7:
0xe3: {  	s7 =	sand.u32 $0x40, s21;
	s11 =	sand.u32 $0x1C00, s8;
	s16 =	sadd.s32 $0x4, s16  }
0xe4: {  	v13 =	vld [tilespmem:s22+$0x0];
	v5 =	vmul.f32 v5, v3;
	v6 =	vmul.f32 v6, v4;
	[tilespmem:s10+$0x0] =	vst v11;
	s10 =	smov.u32 s17;
	s12 =	smov.u32 s19;
	s20 =	sadd.s32 s20, s4  }
0xe5: {  	s15 =	sadd.s32 s11, s0;
	s25 =	sor.u32 $0x30, s7;
	p0 =	slt.u32 s16, $0x3C;
	v11 =	vmul.f32 v7, v4;
	v14 =	vld [tilespmem:s23+$0x0];
	[tilespmem:s24+$0x0] =	vst v12  }
0xe6: {  	s17 =	sor.u32 $0x10, s7;
	s23 =	sadd.s32 $0x80, s15;
	s19 =	sadd.s32 s25, s15;
	v12 =	vmul.f32 v8, v4;
	v7 =	vadd.f32 v6, v5  }
0xe7: {  	s18 =	sadd.s32 s18, s20;
	v5 =	vld [tilespmem:s19+$0x0];
	s22 =	sadd.s32 s25, s23;
	v15 =	vmul.f32 v9, v4;
	s24 =	sadd.s32 s7, s23  }
.Ltmp2:
0xe8: {  	s26 =	sadd.s32 s17, s23;
	s19 =	sor.u32 $0x20, s7;
	v6 =	vld [tilespmem:s22+$0x0];
	v9 =	vmul.f32 v10, v3;
	[tilespmem:s18+$0x0] =	vst v7;
	(pc) =	sbr.rel @p0 .LBB2_7-.Ltmp2, $4  }
0xe9: {  	s18 =	sadd.s32 s7, s15;
	s22 =	sadd.s32 s17, s15;
	v7 =	vld [tilespmem:s24+$0x0];
	s24 =	sadd.s32 s19, s23;
	v10 =	vmul.f32 v13, v3  }
0xea: {  	s10 =	sadd.s32 s10, s20;
	s23 =	sadd.s32 s19, s15;
	s15 =	sadd.s32 s14, s20;
	v8 =	vld [tilespmem:s26+$0x0];
	v13 =	vadd.f32 v11, v9;
	v14 =	vmul.f32 v14, v3  }
0xeb: {  	s14 =	smov.u32 s7;
	v9 =	vld [tilespmem:s24+$0x0];
	v11 =	vadd.f32 v12, v10;
	s24 =	sadd.s32 s12, s20;
	s20 =	smov.u32 s11  }
0xec: {  	s8 =	sadd.s32 $0x200, s8;
	s21 =	sadd.s32 $0x40, s21;
	v10 =	vld [tilespmem:s18+$0x0];
	[tilespmem:s15+$0x0] =	vst v13;
	v12 =	vadd.f32 v15, v14;
	s18 =	smov.u32 s25  }
0xed: {  	v13 =	vld [tilespmem:s22+$0x0]  }
0xee: {  	v14 =	vld [tilespmem:s23+$0x0];
	_ =	sdelay $0x1  }
0xef: {  	v5 =	vmul.f32 v5, v3;
	v6 =	vmul.f32 v6, v4  }
0xf0: {  	s31 =	sadd.s32 $0x1, s31;
	v7 =	vmul.f32 v7, v4;
	v10 =	vmul.f32 v10, v3  }
0xf1: {  	[tilespmem:s10+$0x0] =	vst v11;
	s0 =	sadd.s32 s20, s4;
	p0 =	sne.s32 s31, $0x10;
	v8 =	vmul.f32 v8, v4;
	v5 =	vadd.f32 v6, v5;
	v61 =	vmul.f32 v13, v3  }
.Ltmp3:
0xf2: {  	[tilespmem:s24+$0x0] =	vst v12;
	s4 =	sadd.s32 s18, s0;
	v62 =	vmul.f32 v9, v4;
	v3 =	vmul.f32 v14, v3;
	v7 =	vadd.f32 v7, v10;
	(pc) =	sbr.rel @p0 .LBB2_6-.Ltmp3, $4  }
0xf3: {  	s26 =	sadd.s32 s14, s0;
	[tilespmem:s4+$0x0] =	vst v5;
	v63 =	vadd.f32 v8, v61  }
0xf4: {  	s7 =	sadd.s32 s17, s0;
	v3 =	vadd.f32 v62, v3;
	[tilespmem:s26+$0x0] =	vst v7  }
0xf5: {  	s0 =	sadd.s32 s19, s0;
	[tilespmem:s7+$0x0] =	vst v63  }
0xf6: {  	[tilespmem:s0+$0x0] =	vst v3  }
0xf7: {  	s30 =	simm.s32 $0x0;
	s0 =	rddreg [dreg:$0x6];
	s4 =	simm.s32 $0x18080  }
0xf8: {  	[hbm4b:s0+s30] =	stream.linear.scatter [tilespmem:s4], [sflag:$0x3], $0x4000, $0x38;
	[tilespmem:$0x1C080] =	vst v63  }
0xf9: {  	_ =	swait.ge [sflag:s1], $0x8000  }
0xfa: {  	[sflag:s1] =	ssyncset.done $0x0  }
0xfb: {  	[sflag:s1] =	ssyncadd.s32 $0xFFFF8000  }
0xfc: {  	_ =	swait.ge [sflag:s13], $0x4000  }
0xfd: {  	[sflag:s13] =	ssyncset.done $0x0  }
0xfe: {  	[sflag:s13] =	ssyncadd.s32 $0xFFFFC000  }
0xff: {  	v3 =	vld [tilespmem:$0x60];
	_ =	sdelay $0x4  }
0x100: {  	v4 =	vshll.u32 v3, $0x3  }
0x101: {  	v3 =	vand.u32 $0x7, v3;
	v4 =	vand.u32 $0xFFFFFFC0, v4  }
0x102: {  	v3 =	vor.u32 v3, v4  }
0x103: {  	v4 =	vperm.xlane v3, v0;
	_ =	sdelay $0x1  }
0x104: {  	v4 =	vadd.s32 v1, v4;
	_ =	sdelay $0x3  }
0x105: {  	s10 =	simm.s32 $0xC080  }
0x106: {  	[tilespmem:s10], [sflag:$0x2] =	stream.indirect_vreg.gather [hbm4b:s3+s30], $0x80, v4, vm0, $0xb8;
	[tilespmem:$0x1C080] =	vst v63  }
0x107: {  	s11 =	simm.s32 $0xC880;
	v3 =	vperm.xlane v3, v2  }
0x108: {  	[tilespmem:s11], [sflag:$0x2] =	stream.indirect_vreg.gather [hbm4b:s5+s30], $0x80, v4, vm0, $0xb8;
	[tilespmem:$0x1C080] =	vst v63  }
0x109: {  	s12 =	simm.s32 $0xD080;
	v3 =	vadd.s32 v1, v3  }
0x10a: {  	[tilespmem:s12], [sflag:$0x2] =	stream.indirect_vreg.gather [hbm4b:s6+s30], $0x80, v4, vm0, $0xb8;
	[tilespmem:$0x1C080] =	vst v63  }
0x10b: {  	s14 =	simm.s32 $0xD880  }
0x10c: {  	[tilespmem:s14], [sflag:$0x2] =	stream.indirect_vreg.gather [hbm4b:s9+s30], $0x80, v4, vm0, $0xb8;
	[tilespmem:$0x1C080] =	vst v63  }
0x10d: {  	s15 =	simm.s32 $0xE080  }
0x10e: {  	[tilespmem:s15], [sflag:$0x2] =	stream.indirect_vreg.gather [hbm4b:s3+s30], $0x80, v3, vm0, $0xb8;
	[tilespmem:$0x1C080] =	vst v63  }
0x10f: {  	s16 =	simm.s32 $0xE880  }
0x110: {  	[tilespmem:s16], [sflag:$0x2] =	stream.indirect_vreg.gather [hbm4b:s5+s30], $0x80, v3, vm0, $0xb8;
	[tilespmem:$0x1C080] =	vst v63  }
0x111: {  	s17 =	simm.s32 $0xF080  }
0x112: {  	[tilespmem:s17], [sflag:$0x2] =	stream.indirect_vreg.gather [hbm4b:s6+s30], $0x80, v3, vm0, $0xb8;
	[tilespmem:$0x1C080] =	vst v63  }
0x113: {  	s18 =	simm.s32 $0xF880  }
0x114: {  	[tilespmem:s18], [sflag:$0x2] =	stream.indirect_vreg.gather [hbm4b:s9+s30], $0x80, v3, vm0, $0xb8;
	[tilespmem:$0x1C080] =	vst v63  }
0x115: {  	v3 =	vld [tilespmem:$0x70];
	_ =	sdelay $0x4  }
0x116: {  	v63 =	vshll.u32 v3, $0x3  }
0x117: {  	v3 =	vand.u32 $0x7, v3;
	v4 =	vand.u32 $0xFFFFFFC0, v63  }
0x118: {  	v3 =	vor.u32 v3, v4  }
0x119: {  	v4 =	vperm.xlane v3, v0;
	_ =	sdelay $0x1  }
0x11a: {  	v4 =	vadd.s32 v1, v4;
	_ =	sdelay $0x3  }
0x11b: {  	s19 =	simm.s32 $0x10080  }
0x11c: {  	[tilespmem:s19], [sflag:$0x2] =	stream.indirect_vreg.gather [hbm4b:s3+s30], $0x80, v4, vm0, $0xb8;
	[tilespmem:$0x1C080] =	vst v63  }
0x11d: {  	s20 =	simm.s32 $0x10880;
	v3 =	vperm.xlane v3, v2  }
0x11e: {  	[tilespmem:s20], [sflag:$0x2] =	stream.indirect_vreg.gather [hbm4b:s5+s30], $0x80, v4, vm0, $0xb8;
	[tilespmem:$0x1C080] =	vst v63  }
0x11f: {  	s21 =	simm.s32 $0x11080;
	v3 =	vadd.s32 v1, v3  }
0x120: {  	[tilespmem:s21], [sflag:$0x2] =	stream.indirect_vreg.gather [hbm4b:s6+s30], $0x80, v4, vm0, $0xb8;
	[tilespmem:$0x1C080] =	vst v63  }
0x121: {  	s22 =	simm.s32 $0x11880  }
0x122: {  	[tilespmem:s22], [sflag:$0x2] =	stream.indirect_vreg.gather [hbm4b:s9+s30], $0x80, v4, vm0, $0xb8;
	[tilespmem:$0x1C080] =	vst v63  }
0x123: {  	s23 =	simm.s32 $0x12080  }
0x124: {  	[tilespmem:s23], [sflag:$0x2] =	stream.indirect_vreg.gather [hbm4b:s3+s30], $0x80, v3, vm0, $0xb8;
	[tilespmem:$0x1C080] =	vst v63  }
0x125: {  	s24 =	simm.s32 $0x12880  }
0x126: {  	[tilespmem:s24], [sflag:$0x2] =	stream.indirect_vreg.gather [hbm4b:s5+s30], $0x80, v3, vm0, $0xb8;
	[tilespmem:$0x1C080] =	vst v63  }
0x127: {  	s25 =	simm.s32 $0x13080  }
0x128: {  	[tilespmem:s25], [sflag:$0x2] =	stream.indirect_vreg.gather [hbm4b:s6+s30], $0x80, v3, vm0, $0xb8;
	[tilespmem:$0x1C080] =	vst v63  }
0x129: {  	s26 =	simm.s32 $0x13880;
	s31 =	simm.s32 $0x0  }
0x12a: {  	[tilespmem:s26], [sflag:$0x2] =	stream.indirect_vreg.gather [hbm4b:s9+s30], $0x80, v3, vm0, $0xb8;
	[tilespmem:$0x1C080] =	vst v63  }
.LBB2_10:
0x12b: {  	s0 =	sshll.u32 s31, $0x8;
	s4 =	sshll.u32 s31, $0xB  }
0x12c: {  	s4 =	sand.u32 $0x6000, s4;
	s0 =	sand.u32 $0x300, s0  }
0x12d: {  	s7 =	sshll.u32 s31, $0xA;
	s8 =	sand.u32 $0x40, s30;
	s0 =	sor.u32 s0, s4  }
0x12e: {  	s11 =	sand.u32 $0x1C00, s30;
	s10 =	sshrl.u32 s7, $0x2;
	s0 =	sadd.s32 $0x4080, s0  }
0x12f: {  	s12 =	sor.u32 $0x30, s8;
	v3 =	vld [tilespmem:s10+$0x2080];
	s19 =	sadd.s32 s11, s0  }
0x130: {  	v4 =	vld [tilespmem:s10+$0x2100];
	s14 =	sadd.s32 s12, s19  }
0x131: {  	s15 =	sor.u32 $0x10, s8;
	s25 =	sadd.s32 s8, s19;
	v5 =	vld [tilespmem:s14+$0x0]  }
0x132: {  	s21 =	sor.u32 $0x20, s8;
	s26 =	sadd.s32 s15, s19;
	v10 =	vld [tilespmem:s25+$0x0]  }
0x133: {  	s20 =	sadd.s32 $0x80, s19;
	s4 =	sadd.s32 s21, s19;
	v11 =	vld [tilespmem:s26+$0x0]  }
0x134: {  	s22 =	sadd.s32 s12, s20;
	v12 =	vld [tilespmem:s4+$0x0]  }
0x135: {  	s24 =	sshll.u32 s31, $0x7;
	s17 =	simm.s32 $0x200;
	s16 =	sadd.s32 s8, s20;
	v6 =	vld [tilespmem:s22+$0x0]  }
0x136: {  	s18 =	simm.s32 $0x40;
	s7 =	sand.u32 $0x2000, s7;
	s23 =	sadd.s32 s15, s20;
	v7 =	vld [tilespmem:s16+$0x0]  }
0x137: {  	s10 =	sadd.s32 s21, s20;
	s14 =	sand.u32 $0x40, s18;
	s20 =	sand.u32 $0x1C00, s17;
	v8 =	vld [tilespmem:s23+$0x0]  }
0x138: {  	s19 =	sand.u32 $0x380, s24;
	v9 =	vld [tilespmem:s10+$0x0];
	s23 =	sadd.s32 s20, s0;
	s18 =	sor.u32 $0x30, s14  }
0x139: {  	s22 =	sor.u32 s19, s7;
	s7 =	sadd.s32 $0x80, s23;
	s24 =	sadd.s32 s18, s23  }
0x13a: {  	s16 =	simm.s32 $0x4;
	s4 =	sadd.s32 $0x14080, s22;
	s25 =	sadd.s32 s18, s7;
	v13 =	vmul.f32 v5, v3;
	v5 =	vld [tilespmem:s24+$0x0];
	v14 =	vmul.f32 v6, v4  }
0x13b: {  	s17 =	sor.u32 $0x10, s14;
	s11 =	sadd.s32 s11, s4;
	s22 =	sadd.s32 s14, s7;
	v10 =	vmul.f32 v10, v3;
	v15 =	vmul.f32 v7, v4;
	v6 =	vld [tilespmem:s25+$0x0]  }
0x13c: {  	s19 =	sor.u32 $0x20, s14;
	s26 =	sadd.s32 s12, s11;
	s24 =	sadd.s32 s17, s7;
	v11 =	vmul.f32 v11, v3;
	v12 =	vmul.f32 v12, v3;
	v7 =	vld [tilespmem:s22+$0x0];
	v13 =	vadd.f32 v14, v13  }
0x13d: {  	s10 =	sadd.s32 s15, s11;
	s7 =	sadd.s32 s19, s7;
	v16 =	vmul.f32 v8, v4;
	s25 =	sadd.s32 s14, s23;
	v8 =	vld [tilespmem:s24+$0x0];
	v14 =	vmul.f32 v9, v4;
	v15 =	vadd.f32 v15, v10  }
0x13e: {  	s22 =	sadd.s32 s17, s23;
	s23 =	sadd.s32 s19, s23;
	v9 =	vld [tilespmem:s7+$0x0];
	[tilespmem:s26+$0x0] =	vst v13;
	s26 =	sadd.s32 s8, s11  }
0x13f: {  	s24 =	sadd.s32 s21, s11;
	s21 =	simm.s32 $0x80;
	v11 =	vadd.f32 v16, v11;
	v10 =	vld [tilespmem:s25+$0x0];
	s8 =	simm.s32 $0x400;
	v12 =	vadd.f32 v14, v12;
	[tilespmem:s26+$0x0] =	vst v15  }
.LBB2_11:
0x140: {  	s7 =	sand.u32 $0x40, s21;
	s11 =	sand.u32 $0x1C00, s8;
	s16 =	sadd.s32 $0x4, s16  }
0x141: {  	v13 =	vld [tilespmem:s22+$0x0];
	v5 =	vmul.f32 v5, v3;
	v6 =	vmul.f32 v6, v4;
	[tilespmem:s10+$0x0] =	vst v11;
	s10 =	smov.u32 s17;
	s12 =	smov.u32 s19;
	s20 =	sadd.s32 s20, s4  }
0x142: {  	s15 =	sadd.s32 s11, s0;
	s25 =	sor.u32 $0x30, s7;
	p0 =	slt.u32 s16, $0x3C;
	v11 =	vmul.f32 v7, v4;
	v14 =	vld [tilespmem:s23+$0x0];
	[tilespmem:s24+$0x0] =	vst v12  }
0x143: {  	s17 =	sor.u32 $0x10, s7;
	s23 =	sadd.s32 $0x80, s15;
	s19 =	sadd.s32 s25, s15;
	v12 =	vmul.f32 v8, v4;
	v7 =	vadd.f32 v6, v5  }
0x144: {  	s18 =	sadd.s32 s18, s20;
	v5 =	vld [tilespmem:s19+$0x0];
	s22 =	sadd.s32 s25, s23;
	v15 =	vmul.f32 v9, v4;
	s24 =	sadd.s32 s7, s23  }
.Ltmp4:
0x145: {  	s26 =	sadd.s32 s17, s23;
	s19 =	sor.u32 $0x20, s7;
	v6 =	vld [tilespmem:s22+$0x0];
	v9 =	vmul.f32 v10, v3;
	[tilespmem:s18+$0x0] =	vst v7;
	(pc) =	sbr.rel @p0 .LBB2_11-.Ltmp4, $4  }
0x146: {  	s18 =	sadd.s32 s7, s15;
	s22 =	sadd.s32 s17, s15;
	v7 =	vld [tilespmem:s24+$0x0];
	s24 =	sadd.s32 s19, s23;
	v10 =	vmul.f32 v13, v3  }
0x147: {  	s10 =	sadd.s32 s10, s20;
	s23 =	sadd.s32 s19, s15;
	s15 =	sadd.s32 s14, s20;
	v8 =	vld [tilespmem:s26+$0x0];
	v13 =	vadd.f32 v11, v9;
	v14 =	vmul.f32 v14, v3  }
0x148: {  	s14 =	smov.u32 s7;
	v9 =	vld [tilespmem:s24+$0x0];
	v11 =	vadd.f32 v12, v10;
	s24 =	sadd.s32 s12, s20;
	s20 =	smov.u32 s11  }
0x149: {  	s8 =	sadd.s32 $0x200, s8;
	s21 =	sadd.s32 $0x40, s21;
	v10 =	vld [tilespmem:s18+$0x0];
	[tilespmem:s15+$0x0] =	vst v13;
	v12 =	vadd.f32 v15, v14;
	s18 =	smov.u32 s25  }
0x14a: {  	v13 =	vld [tilespmem:s22+$0x0]  }
0x14b: {  	v14 =	vld [tilespmem:s23+$0x0];
	_ =	sdelay $0x1  }
0x14c: {  	v5 =	vmul.f32 v5, v3;
	v6 =	vmul.f32 v6, v4  }
0x14d: {  	s31 =	sadd.s32 $0x1, s31;
	v7 =	vmul.f32 v7, v4;
	v10 =	vmul.f32 v10, v3  }
0x14e: {  	[tilespmem:s10+$0x0] =	vst v11;
	s0 =	sadd.s32 s20, s4;
	p0 =	sne.s32 s31, $0x10;
	v8 =	vmul.f32 v8, v4;
	v5 =	vadd.f32 v6, v5;
	v61 =	vmul.f32 v13, v3  }
.Ltmp5:
0x14f: {  	[tilespmem:s24+$0x0] =	vst v12;
	s4 =	sadd.s32 s18, s0;
	v62 =	vmul.f32 v9, v4;
	v3 =	vmul.f32 v14, v3;
	v7 =	vadd.f32 v7, v10;
	(pc) =	sbr.rel @p0 .LBB2_10-.Ltmp5, $4  }
0x150: {  	s26 =	sadd.s32 s14, s0;
	[tilespmem:s4+$0x0] =	vst v5;
	v63 =	vadd.f32 v8, v61  }
0x151: {  	s7 =	sadd.s32 s17, s0;
	v3 =	vadd.f32 v62, v3;
	[tilespmem:s26+$0x0] =	vst v7  }
0x152: {  	s0 =	sadd.s32 s19, s0;
	[tilespmem:s7+$0x0] =	vst v63  }
0x153: {  	[tilespmem:s0+$0x0] =	vst v3  }
0x154: {  	s30 =	simm.s32 $0x0;
	s0 =	rddreg [dreg:$0x7];
	s4 =	simm.s32 $0x14080  }
0x155: {  	[hbm4b:s0+s30] =	stream.linear.scatter [tilespmem:s4], [sflag:$0x3], $0x4000, $0x38;
	[tilespmem:$0x1C080] =	vst v63  }
0x156: {  	_ =	swait.ge [sflag:s1], $0x8000  }
0x157: {  	[sflag:s1] =	ssyncset.done $0x0  }
0x158: {  	[sflag:s1] =	ssyncadd.s32 $0xFFFF8000  }
0x159: {  	_ =	swait.ge [sflag:s13], $0x4000  }
0x15a: {  	[sflag:s13] =	ssyncset.done $0x0  }
0x15b: {  	s31 =	simm.s32 $0x0;
	[sflag:s13] =	ssyncadd.s32 $0xFFFFC000  }
.LBB2_14:
0x15c: {  	s0 =	sshll.u32 s31, $0x8;
	s4 =	sshll.u32 s31, $0xB  }
0x15d: {  	s4 =	sand.u32 $0x6000, s4;
	s0 =	sand.u32 $0x300, s0  }
0x15e: {  	s7 =	sshll.u32 s31, $0xA;
	s8 =	sand.u32 $0x40, s30;
	s0 =	sor.u32 s0, s4  }
0x15f: {  	s11 =	sand.u32 $0x1C00, s30;
	s10 =	sshrl.u32 s7, $0x2;
	s0 =	sadd.s32 $0xC080, s0  }
0x160: {  	s12 =	sor.u32 $0x30, s8;
	v3 =	vld [tilespmem:s10+$0x3080];
	s19 =	sadd.s32 s11, s0  }
0x161: {  	v4 =	vld [tilespmem:s10+$0x3100];
	s14 =	sadd.s32 s12, s19  }
0x162: {  	s15 =	sor.u32 $0x10, s8;
	s25 =	sadd.s32 s8, s19;
	v5 =	vld [tilespmem:s14+$0x0]  }
0x163: {  	s21 =	sor.u32 $0x20, s8;
	s26 =	sadd.s32 s15, s19;
	v10 =	vld [tilespmem:s25+$0x0]  }
0x164: {  	s20 =	sadd.s32 $0x80, s19;
	s4 =	sadd.s32 s21, s19;
	v11 =	vld [tilespmem:s26+$0x0]  }
0x165: {  	s22 =	sadd.s32 s12, s20;
	v12 =	vld [tilespmem:s4+$0x0]  }
0x166: {  	s24 =	sshll.u32 s31, $0x7;
	s17 =	simm.s32 $0x200;
	s16 =	sadd.s32 s8, s20;
	v6 =	vld [tilespmem:s22+$0x0]  }
0x167: {  	s18 =	simm.s32 $0x40;
	s7 =	sand.u32 $0x2000, s7;
	s23 =	sadd.s32 s15, s20;
	v7 =	vld [tilespmem:s16+$0x0]  }
0x168: {  	s10 =	sadd.s32 s21, s20;
	s14 =	sand.u32 $0x40, s18;
	s20 =	sand.u32 $0x1C00, s17;
	v8 =	vld [tilespmem:s23+$0x0]  }
0x169: {  	s19 =	sand.u32 $0x380, s24;
	v9 =	vld [tilespmem:s10+$0x0];
	s23 =	sadd.s32 s20, s0;
	s18 =	sor.u32 $0x30, s14  }
0x16a: {  	s22 =	sor.u32 s19, s7;
	s7 =	sadd.s32 $0x80, s23;
	s24 =	sadd.s32 s18, s23  }
0x16b: {  	s16 =	simm.s32 $0x4;
	s4 =	sadd.s32 $0x18080, s22;
	s25 =	sadd.s32 s18, s7;
	v13 =	vmul.f32 v5, v3;
	v5 =	vld [tilespmem:s24+$0x0];
	v14 =	vmul.f32 v6, v4  }
0x16c: {  	s17 =	sor.u32 $0x10, s14;
	s11 =	sadd.s32 s11, s4;
	s22 =	sadd.s32 s14, s7;
	v10 =	vmul.f32 v10, v3;
	v15 =	vmul.f32 v7, v4;
	v6 =	vld [tilespmem:s25+$0x0]  }
0x16d: {  	s19 =	sor.u32 $0x20, s14;
	s26 =	sadd.s32 s12, s11;
	s24 =	sadd.s32 s17, s7;
	v11 =	vmul.f32 v11, v3;
	v12 =	vmul.f32 v12, v3;
	v7 =	vld [tilespmem:s22+$0x0];
	v13 =	vadd.f32 v14, v13  }
0x16e: {  	s10 =	sadd.s32 s15, s11;
	s7 =	sadd.s32 s19, s7;
	v16 =	vmul.f32 v8, v4;
	s25 =	sadd.s32 s14, s23;
	v8 =	vld [tilespmem:s24+$0x0];
	v14 =	vmul.f32 v9, v4;
	v15 =	vadd.f32 v15, v10  }
0x16f: {  	s22 =	sadd.s32 s17, s23;
	s23 =	sadd.s32 s19, s23;
	v9 =	vld [tilespmem:s7+$0x0];
	[tilespmem:s26+$0x0] =	vst v13;
	s26 =	sadd.s32 s8, s11  }
0x170: {  	s24 =	sadd.s32 s21, s11;
	s21 =	simm.s32 $0x80;
	v11 =	vadd.f32 v16, v11;
	v10 =	vld [tilespmem:s25+$0x0];
	s8 =	simm.s32 $0x400;
	v12 =	vadd.f32 v14, v12;
	[tilespmem:s26+$0x0] =	vst v15  }
.LBB2_15:
0x171: {  	s7 =	sand.u32 $0x40, s21;
	s11 =	sand.u32 $0x1C00, s8;
	s16 =	sadd.s32 $0x4, s16  }
0x172: {  	v13 =	vld [tilespmem:s22+$0x0];
	v5 =	vmul.f32 v5, v3;
	v6 =	vmul.f32 v6, v4;
	[tilespmem:s10+$0x0] =	vst v11;
	s10 =	smov.u32 s17;
	s12 =	smov.u32 s19;
	s20 =	sadd.s32 s20, s4  }
0x173: {  	s15 =	sadd.s32 s11, s0;
	s25 =	sor.u32 $0x30, s7;
	p0 =	slt.u32 s16, $0x3C;
	v11 =	vmul.f32 v7, v4;
	v14 =	vld [tilespmem:s23+$0x0];
	[tilespmem:s24+$0x0] =	vst v12  }
0x174: {  	s17 =	sor.u32 $0x10, s7;
	s23 =	sadd.s32 $0x80, s15;
	s19 =	sadd.s32 s25, s15;
	v12 =	vmul.f32 v8, v4;
	v7 =	vadd.f32 v6, v5  }
0x175: {  	s18 =	sadd.s32 s18, s20;
	v5 =	vld [tilespmem:s19+$0x0];
	s22 =	sadd.s32 s25, s23;
	v15 =	vmul.f32 v9, v4;
	s24 =	sadd.s32 s7, s23  }
.Ltmp6:
0x176: {  	s26 =	sadd.s32 s17, s23;
	s19 =	sor.u32 $0x20, s7;
	v6 =	vld [tilespmem:s22+$0x0];
	v9 =	vmul.f32 v10, v3;
	[tilespmem:s18+$0x0] =	vst v7;
	(pc) =	sbr.rel @p0 .LBB2_15-.Ltmp6, $4  }
0x177: {  	s18 =	sadd.s32 s7, s15;
	s22 =	sadd.s32 s17, s15;
	v7 =	vld [tilespmem:s24+$0x0];
	s24 =	sadd.s32 s19, s23;
	v10 =	vmul.f32 v13, v3  }
0x178: {  	s10 =	sadd.s32 s10, s20;
	s23 =	sadd.s32 s19, s15;
	s15 =	sadd.s32 s14, s20;
	v8 =	vld [tilespmem:s26+$0x0];
	v13 =	vadd.f32 v11, v9;
	v14 =	vmul.f32 v14, v3  }
0x179: {  	s14 =	smov.u32 s7;
	v9 =	vld [tilespmem:s24+$0x0];
	v11 =	vadd.f32 v12, v10;
	s24 =	sadd.s32 s12, s20;
	s20 =	smov.u32 s11  }
0x17a: {  	s8 =	sadd.s32 $0x200, s8;
	s21 =	sadd.s32 $0x40, s21;
	v10 =	vld [tilespmem:s18+$0x0];
	[tilespmem:s15+$0x0] =	vst v13;
	v12 =	vadd.f32 v15, v14;
	s18 =	smov.u32 s25  }
0x17b: {  	v13 =	vld [tilespmem:s22+$0x0]  }
0x17c: {  	v14 =	vld [tilespmem:s23+$0x0];
	_ =	sdelay $0x1  }
0x17d: {  	v5 =	vmul.f32 v5, v3;
	v6 =	vmul.f32 v6, v4  }
0x17e: {  	s31 =	sadd.s32 $0x1, s31;
	v7 =	vmul.f32 v7, v4;
	v10 =	vmul.f32 v10, v3  }
0x17f: {  	[tilespmem:s10+$0x0] =	vst v11;
	s0 =	sadd.s32 s20, s4;
	p0 =	sne.s32 s31, $0x10;
	v8 =	vmul.f32 v8, v4;
	v5 =	vadd.f32 v6, v5;
	v61 =	vmul.f32 v13, v3  }
.Ltmp7:
0x180: {  	[tilespmem:s24+$0x0] =	vst v12;
	s4 =	sadd.s32 s18, s0;
	v62 =	vmul.f32 v9, v4;
	v3 =	vmul.f32 v14, v3;
	v7 =	vadd.f32 v7, v10;
	(pc) =	sbr.rel @p0 .LBB2_14-.Ltmp7, $4  }
0x181: {  	s26 =	sadd.s32 s14, s0;
	[tilespmem:s4+$0x0] =	vst v5;
	v63 =	vadd.f32 v8, v61  }
0x182: {  	s7 =	sadd.s32 s17, s0;
	v3 =	vadd.f32 v62, v3;
	[tilespmem:s26+$0x0] =	vst v7  }
0x183: {  	s0 =	sadd.s32 s19, s0;
	[tilespmem:s7+$0x0] =	vst v63  }
0x184: {  	[tilespmem:s0+$0x0] =	vst v3  }
0x185: {  	s0 =	rddreg [dreg:$0x8];
	s4 =	simm.s32 $0x18080  }
0x186: {  	[hbm4b:s0+s2] =	stream.linear.scatter [tilespmem:s4], [sflag:$0x3], $0x4000, $0x38;
	[tilespmem:$0x1C080] =	vst v63  }
0x187: {  	_ =	swait.ge [sflag:s13], $0x4000  }
0x188: {  	[sflag:s13] =	ssyncset.done $0x0  }
0x189: {  	[sflag:s13] =	ssyncadd.s32 $0xFFFFC000  }
0x18a: {  	_ =	swait.ge [sflag:s13], $0x4000  }
0x18b: {  	s29 =	sadd.s32 $0x1, s29;
	s31 =	rddreg [dreg:$0x9]  }
0x18c: {  	p0 =	sne.s32 s29, s31  }
.Ltmp8:
0x18d: {  	_ = 	snop;
	(pc) =	sbr.rel @p0 .LBB2_1-.Ltmp8, $3  }
0x18e: {  	_ =	sdelay $0x1  }
0x18f: {  	[sflag:s13] =	ssyncset.done $0x0  }
0x190: {  	[sflag:s13] =	ssyncadd.s32 $0xFFFFC000  }
0x191: {  	_ =	sfence.sel $0x180000  }
0x192: {  	[bflag:$0x0] =	sbarrier.arrive $0xFFFF  }
0x193: {  	_ =	strace $0x9000004A  }
0x194: {  	s0 =	stileid.u32;
	[bflag:$0x2] =	sbarrier.arrive $0xFFFF  }
0x195: {  	p0 =	sne.s32 s0, $0x0;
	s0 =	rddreg [dreg:$0x2]  }
0x196: {  	s0 =	sadd.s32 @!p0 $0x100000, s0  }
0x197: {  	[sflag:s0] =	ssyncadd.tile.s32 @!p0 $0x1;
	_ =	shalt  }
.Lfunc_end2:
_tile_overlayer_lowered:
.L_overlay_start_2:
0x198: {  	(tag) =	ssettag $0x2  }
0x199: {  	s0 =	rddreg [dreg:$0x0];
	s2 =	stileid.u32  }
0x19a: {  	s1 =	rddreg [dreg:$0x1];
	p0 =	sne.s32 s2, $0x0  }
0x19b: {  	s3 =	rddreg [dreg:$0x2];
	[bflag:$0x3] =	sbarrier.arrive $0xFFFF;
	s2 =	simm.s32 @!p0 $0x1C04  }
0x19c: {  	[timem:s3], [sflag:s2] =	dma.local @!p0 [hbm:s0], s1  }
0x19d: {  	s0 =	simm.s32 @!p0 $0x4  }
0x19e: {  	_ =	swait.ge @!p0 [sflag:s0], s1  }
0x19f: {  	s1 =	ssub.s32 @!p0 $0x0, s1;
	[sflag:s0] =	ssyncset.done @!p0 $0x0  }
0x1a0: {  	[sflag:s0] =	ssyncadd.s32 @!p0 s1  }
0x1a1: {  	[bflag:$0x3] =	sbarrier.arrive $0xFFFF  }
0x1a2: {  	_ =	shalt  }

</sc_bundles>
